<compile_context>
chip_gen: v7x
topology: tpu7x:2x2x1
jax: 0.10.2.dev20260603
libtpu: 0.0.44.dev20260713+nightly
codegen_flags: <defaults>
</compile_context>

<pallas_src>
import functools

import jax
import jax.numpy as jnp
from jax.experimental import pallas as pl



def _mm_body(a_ref, w_ref, b_ref, o_ref, *, act, chunk, desc):
    a = a_ref[...].reshape(a_ref.shape[-2], a_ref.shape[-1])
    w = w_ref[...].reshape(w_ref.shape[-2], w_ref.shape[-1])
    Kd = a.shape[1]
    ch = chunk if chunk else Kd
    parts = [jnp.dot(a[:, lo:lo + ch], w[lo:lo + ch, :],
                     preferred_element_type=jnp.float32)
             for lo in range(0, Kd, ch)]
    if desc:
        parts = parts[::-1]
    y = parts[0]
    for p in parts[1:]:
        y = y + p
    y = y + b_ref[...].reshape(1, b_ref.shape[-1])
    if act == "relu":
        y = jnp.maximum(y, 0.0)
    elif act == "tanh":
        y = jnp.tanh(y)
    o_ref[...] = y.reshape(o_ref.shape)


def _mm(A, W, b, act="none", block_m=2048, chunk=0, desc=False):
    M, K = A.shape
    N = W.shape[1]
    grid = (M // block_m,)
    return pl.pallas_call(
        functools.partial(_mm_body, act=act, chunk=chunk, desc=desc),
        grid=grid,
        in_specs=[
            pl.BlockSpec((block_m, K), lambda i: (i, 0)),
            pl.BlockSpec((K, N), lambda i: (0, 0)),
            pl.BlockSpec((1, N), lambda i: (0, 0)),
        ],
        out_specs=pl.BlockSpec((block_m, N), lambda i: (i, 0)),
        out_shape=jax.ShapeDtypeStruct((M, N), jnp.float32),
    )(A, W, b.reshape(1, N))


def _mm4(A, W, b, act="none", block_m=2048):
    _, M, K = A.shape
    N = W.shape[2]
    grid = (4, M // block_m)
    return pl.pallas_call(
        functools.partial(_mm_body, act=act, chunk=0, desc=False),
        grid=grid,
        in_specs=[
            pl.BlockSpec((1, block_m, K), lambda p, i: (p, i, 0)),
            pl.BlockSpec((1, K, N), lambda p, i: (p, 0, 0)),
            pl.BlockSpec((1, 1, N), lambda p, i: (0, 0, 0)),
        ],
        out_specs=pl.BlockSpec((1, block_m, N), lambda p, i: (p, i, 0)),
        out_shape=jax.ShapeDtypeStruct((4, M, N), jnp.float32),
    )(A, W, b.reshape(1, 1, N))


def _mm4f_body(a_ref, w_ref, b_ref, o_ref, *, act):
    a = a_ref[...].reshape(a_ref.shape[-2], a_ref.shape[-1])
    w = w_ref[...].reshape(w_ref.shape[-2], w_ref.shape[-1])
    y = jnp.dot(a, w, preferred_element_type=jnp.float32)
    y = y + b_ref[...].reshape(1, w.shape[1])
    if act == "tanh":
        y = jnp.tanh(y)
    o_ref[...] = y.reshape(1, 1, a.shape[0])


def _mm4f(A, W, b, act="none", block_m=2048):
    _, M, K = A.shape
    nb = M // block_m
    grid = (4, nb)
    out = pl.pallas_call(
        functools.partial(_mm4f_body, act=act),
        grid=grid,
        in_specs=[
            pl.BlockSpec((1, block_m, K), lambda p, i: (p, i, 0)),
            pl.BlockSpec((1, K, 1), lambda p, i: (p, 0, 0)),
            pl.BlockSpec((1, 1, 1), lambda p, i: (0, 0, 0)),
        ],
        out_specs=pl.BlockSpec((1, 1, block_m), lambda p, i: (p * nb + i, 0, 0)),
        out_shape=jax.ShapeDtypeStruct((4 * nb, 1, block_m), jnp.float32),
    )(A, W, b.reshape(1, 1, 1))
    return out.reshape(4, M)



def _vq_body(z_ref, cb_ref, xn_ref, yn_ref, idx_ref, q_ref, pool_ref, loss_ref):
    z = z_ref[...]
    cb = cb_ref[...]
    bm = z.shape[0]
    v = cb.shape[0]
    scores = jax.lax.dot_general(
        z, cb, dimension_numbers=(((1,), (1,)), ((), ())),
        preferred_element_type=jnp.float32)
    dist = xn_ref[...] + yn_ref[...] - 2.0 * scores
    dist = jnp.sqrt(jnp.maximum(dist, 0.0))
    m = jnp.min(dist, axis=1, keepdims=True)
    iota = jax.lax.broadcasted_iota(jnp.int32, (bm, v), 1)
    idx = jnp.min(jnp.where(dist <= m, iota, jnp.int32(2**30)), axis=1)
    idx_ref[...] = idx[None, None, :]
    onehot = (iota == idx[:, None]).astype(jnp.float32)
    q = jnp.dot(onehot, cb, preferred_element_type=jnp.float32)
    q_ref[...] = q
    pool_ref[...] = jnp.mean(q.reshape(bm // 64, 64, 64), axis=1)
    d = q - z
    loss_ref[...] = jnp.sum(d * d).reshape(1, 1, 1)


def _vq(z_flat, codebook, x_norm, y_norm, block_m=2048):
    M, ed = z_flat.shape
    V = codebook.shape[0]
    nb = M // block_m
    idx, q, pool, loss = pl.pallas_call(
        _vq_body,
        grid=(nb,),
        in_specs=[
            pl.BlockSpec((block_m, ed), lambda i: (i, 0)),
            pl.BlockSpec((V, ed), lambda i: (0, 0)),
            pl.BlockSpec((block_m, 1), lambda i: (i, 0)),
            pl.BlockSpec((1, V), lambda i: (0, 0)),
        ],
        out_specs=[
            pl.BlockSpec((1, 1, block_m), lambda i: (i, 0, 0)),
            pl.BlockSpec((block_m, ed), lambda i: (i, 0)),
            pl.BlockSpec((block_m // 64, ed), lambda i: (i, 0)),
            pl.BlockSpec((1, 1, 1), lambda i: (i, 0, 0)),
        ],
        out_shape=[
            jax.ShapeDtypeStruct((nb, 1, block_m), jnp.int32),
            jax.ShapeDtypeStruct((M, ed), jnp.float32),
            jax.ShapeDtypeStruct((M // 64, ed), jnp.float32),
            jax.ShapeDtypeStruct((nb, 1, 1), jnp.float32),
        ],
    )(z_flat, codebook, x_norm, y_norm)
    return idx.reshape(M), q, pool, loss



def _enc_patches(x_nhwc, cgroup=0):
    N, H, W, C = x_nhwc.shape
    OH, OW = H // 2, W // 2
    xp = jnp.pad(x_nhwc, ((0, 0), (1, 1), (1, 1), (0, 0)))
    taps = []
    for kh in range(4):
        for kw in range(4):
            taps.append(xp[:, kh::2, kw::2, :][:, :OH, :OW, :])
    A = jnp.stack(taps, axis=-2)
    if cgroup:
        g = cgroup
        A = A.reshape(N, OH, OW, 16, C // g, g)
        A = jnp.transpose(A, (0, 1, 2, 4, 3, 5))
    return A.reshape(N * OH * OW, 16 * C)


def _enc_w(w, cgroup=0):
    O, C = w.shape[0], w.shape[1]
    wm = jnp.transpose(w, (2, 3, 1, 0))
    if cgroup:
        g = cgroup
        wm = wm.reshape(16, C // g, g, O)
        wm = jnp.transpose(wm, (1, 0, 2, 3))
    return wm.reshape(16 * C, O)


def _dec_patches(x_nhwc):
    N, H, W, C = x_nhwc.shape
    xp = jnp.pad(x_nhwc, ((0, 0), (1, 1), (1, 1), (0, 0)))
    pars = []
    for pi in (0, 1):
        for pj in (0, 1):
            taps = []
            for th in (0, 1):
                for tw in (0, 1):
                    taps.append(xp[:, pi + th:pi + th + H,
                                   pj + tw:pj + tw + W, :])
            pars.append(jnp.stack(taps, axis=-2).reshape(N * H * W, 4 * C))
    return jnp.stack(pars, axis=0)


def _dec_w(w):
    mats = []
    for pi in (0, 1):
        for pj in (0, 1):
            sub = w[:, :, pi::2, pj::2]
            mats.append(jnp.transpose(sub, (2, 3, 1, 0)).reshape(-1, w.shape[0]))
    return jnp.stack(mats, axis=0)


def _interleave(y4, N, H, W, O):
    y = y4.reshape(2, 2, N, H, W, O)
    y = jnp.transpose(y, (2, 3, 0, 4, 1, 5))
    return y.reshape(N, 2 * H, 2 * W, O)



def kernel(x, conv1_w, conv1_b, conv2_w, conv2_b, conv3_w, conv3_b, codebook,
           dec1_w, dec1_b, dec2_w, dec2_b, dec3_w, dec3_b):
    B, T, H, W = x.shape
    NF = B * T
    V, ed = codebook.shape

    x3 = jnp.pad(x.reshape(NF, H, W), ((0, 0), (1, 1), (1, 1)))
    taps1 = [x3[:, kh::2, kw::2][:, :H // 2, :W // 2]
             for kh in range(4) for kw in range(4)]
    A1 = jnp.stack(taps1, axis=-1).reshape(NF * (H // 2) * (W // 2), 16)
    h1 = _mm(A1, _enc_w(conv1_w), conv1_b, act="relu",
             block_m=8192)
    h1 = h1.reshape(NF, H // 2, W // 2, 32)
    h2 = _mm(_enc_patches(h1, cgroup=8), _enc_w(conv2_w, cgroup=8), conv2_b,
             act="relu", block_m=4096, chunk=128, desc=True)
    h2 = h2.reshape(NF, H // 4, W // 4, 64)
    z_flat = _mm(_enc_patches(h2), _enc_w(conv3_w), conv3_b, act="none",
                 block_m=2048, chunk=256, desc=False)

    x_norm = jnp.sum(z_flat ** 2, axis=1, keepdims=True)
    y_norm = jnp.sum(codebook ** 2, axis=1)[None, :]
    indices, quantized, pooled, loss_parts = _vq(z_flat, codebook,
                                                 x_norm, y_norm)
    vq_loss = 1.25 * jnp.sum(loss_parts) / (z_flat.size)
    quantized_pooled = pooled.reshape(B, T, ed)
    indices_seq = indices.reshape(B, T, 64)[:, :, 0]

    q_img = quantized.reshape(NF, 8, 8, ed)
    d1 = _mm4(_dec_patches(q_img), _dec_w(dec1_w), dec1_b, act="relu",
              block_m=2048)
    d1 = _interleave(d1, NF, 8, 8, 64)
    d2 = _mm4(_dec_patches(d1), _dec_w(dec2_w), dec2_b, act="relu",
              block_m=4096)
    d2 = _interleave(d2, NF, 16, 16, 32)
    d3 = _mm4f(_dec_patches(d2), _dec_w(dec3_w), dec3_b, act="tanh",
               block_m=8192)
    y = d3.reshape(2, 2, NF, 32, 32)
    y = jnp.transpose(y, (2, 3, 0, 4, 1)).reshape(NF, 64, 64)
    reconstructed = y[:, None, :, :]

    return (quantized_pooled, indices_seq, vq_loss, reconstructed)

# --- scband reference (transcript-rebuilt; emitter-appended) ---
"""Pipeline reference for scband-motion-vqvae-86148454023464 (READ-ONLY COPY).

The authoritative reference and input builder live on the scoring server;
editing this copy changes nothing except your own understanding.
"""

import jax, jax.numpy as jnp
import numpy as np


def _conv(x, w, b):
    y = jax.lax.conv_general_dilated(x, w, window_strides=(2, 2), padding=((1, 1), (1, 1)), dimension_numbers=('NCHW', 'OIHW', 'NCHW'))
    return y + b[None, :, None, None]


def _convT(x, w, b):
    y = jax.lax.conv_transpose(x, w, strides=(2, 2), padding='SAME', dimension_numbers=('NCHW', 'OIHW', 'NCHW'))
    return y + b[None, :, None, None]


def setup_inputs(seed: int = 0) -> dict:
    key = jax.random.key(seed)
    ks = jax.random.split(key, 12)
    B, T, H, W = 32, 16, 64, 64
    V, ed = 1024, 64
    x = jax.random.normal(ks[0], (B, T, H, W), jnp.float32)
    def mk(k, shape, fan_in):
        return jax.random.normal(k, shape, jnp.float32) * np.float32(1.0 / np.sqrt(fan_in))
    conv1_w = mk(ks[1], (32, 1, 4, 4), 1 * 16)
    conv1_b = jnp.zeros((32,), jnp.float32)
    conv2_w = mk(ks[2], (64, 32, 4, 4), 32 * 16)
    conv2_b = jnp.zeros((64,), jnp.float32)
    conv3_w = mk(ks[3], (ed, 64, 4, 4), 64 * 16)
    conv3_b = jnp.zeros((ed,), jnp.float32)
    codebook = jax.random.uniform(ks[4], (V, ed), jnp.float32, -1.0 / V, 1.0 / V)
    dec1_w = mk(ks[5], (64, ed, 4, 4), ed * 16)
    dec1_b = jnp.zeros((64,), jnp.float32)
    dec2_w = mk(ks[6], (32, 64, 4, 4), 64 * 16)
    dec2_b = jnp.zeros((32,), jnp.float32)
    dec3_w = mk(ks[7], (1, 32, 4, 4), 32 * 16)
    dec3_b = jnp.zeros((1,), jnp.float32)
    return dict(x=x, conv1_w=conv1_w, conv1_b=conv1_b, conv2_w=conv2_w, conv2_b=conv2_b, conv3_w=conv3_w, conv3_b=conv3_b, codebook=codebook, dec1_w=dec1_w, dec1_b=dec1_b, dec2_w=dec2_w, dec2_b=dec2_b, dec3_w=dec3_w, dec3_b=dec3_b)


def reference(x, conv1_w, conv1_b, conv2_w, conv2_b, conv3_w, conv3_b, codebook, dec1_w, dec1_b, dec2_w, dec2_b, dec3_w, dec3_b):
    B, T, H, W = x.shape
    ed = codebook.shape[1]
    xr = x.reshape(B * T, 1, H, W)
    h = jax.nn.relu(_conv(xr, conv1_w, conv1_b))
    h = jax.nn.relu(_conv(h, conv2_w, conv2_b))
    z_e = _conv(h, conv3_w, conv3_b)  # [B*T, ed, 8, 8]
    z_e_nhwc = jnp.transpose(z_e, (0, 2, 3, 1))  # [B*T, 8, 8, ed]
    z_flat = z_e_nhwc.reshape(-1, ed)
    x_norm = jnp.sum(z_flat ** 2, axis=1, keepdims=True)
    y_norm = jnp.sum(codebook ** 2, axis=1)[None, :]
    dist = x_norm + y_norm - 2.0 * (z_flat @ codebook.T)
    distances = jnp.sqrt(jnp.clip(dist, 0.0, None))
    indices = jnp.argmin(distances, axis=1)
    quantized = jnp.take(codebook, indices, axis=0)
    quantized = quantized.reshape(B * T, 8, 8, ed)
    quantized = jnp.transpose(quantized, (0, 3, 1, 2))  # [B*T, ed, 8, 8]
    vq_loss = jnp.mean((jax.lax.stop_gradient(quantized) - z_e) ** 2) + 0.25 * jnp.mean((quantized - jax.lax.stop_gradient(z_e)) ** 2)
    quant_st = z_e + jax.lax.stop_gradient(quantized - z_e)
    d = jax.nn.relu(_convT(quant_st, dec1_w, dec1_b))
    d = jax.nn.relu(_convT(d, dec2_w, dec2_b))
    reconstructed = jnp.tanh(_convT(d, dec3_w, dec3_b))
    quantized_pooled = jnp.mean(quant_st, axis=(2, 3)).reshape(B, T, ed)
    indices_seq = indices.reshape(B, T, 64)[:, :, 0]
    return (quantized_pooled, indices_seq, vq_loss, reconstructed)

if __name__ == "__main__":
    import jax
    _d = setup_inputs()
    print(jax.jit(kernel)(*tuple(_d.values())))

</pallas_src>

<mosaic_0001>
module attributes {stable_mosaic.version = 14 : i64} {
  func.func @_mm_body(%arg0: i32, %arg1: memref<8192x16xf32, #tpu.memory_space<vmem>>, %arg2: memref<16x32xf32, #tpu.memory_space<vmem>>, %arg3: memref<1x32xf32, #tpu.memory_space<vmem>>, %arg4: memref<8192x32xf32, #tpu.memory_space<vmem>>) attributes {dimension_semantics = [#tpu.dimension_semantics<arbitrary>], iteration_bounds = array<i64: 64>, scalar_prefetch = 0 : i64, scratch_operands = 0 : i64, tpu.core_type = #tpu.core_type<tc>, window_params = [{transform_indices = @transform_0, window_bounds = array<i64: 8192, 16>}, {pipeline_mode = #tpu.pipeline_mode<synchronous>, transform_indices = @transform_1, window_bounds = array<i64: 16, 32>}, {pipeline_mode = #tpu.pipeline_mode<synchronous>, transform_indices = @transform_2, window_bounds = array<i64: 1, 32>}, {transform_indices = @transform_3, window_bounds = array<i64: 8192, 32>}]} {
    %get3A = arith.constant 0 : index
    %get3A_0 = arith.constant 0 : index
    %get3A_1 = vector.load %arg1[%get3A, %get3A_0] : memref<8192x16xf32, #tpu.memory_space<vmem>>, vector<8192x16xf32>
    %get3A_2 = arith.constant 0 : index
    %get3A_3 = arith.constant 0 : index
    %get3A_4 = vector.load %arg2[%get3A_2, %get3A_3] : memref<16x32xf32, #tpu.memory_space<vmem>>, vector<16x32xf32>
    %dot_general3A = arith.constant dense<0.000000e+00> : vector<8192x32xf32>
    %dot_general3A_5 = tpu.matmul %get3A_1, %get3A_4, %dot_general3A {dimension_numbers = #tpu.dot_dimension_numbers<[1], [0], [0], [1], [0, 0, 1, 1], [], []>, transpose_lhs_hint = false} : vector<8192x16xf32>, vector<16x32xf32>, vector<8192x32xf32> -> vector<8192x32xf32>
    %get3A_6 = arith.constant 0 : index
    %get3A_7 = arith.constant 0 : index
    %get3A_8 = vector.load %arg3[%get3A_6, %get3A_7] : memref<1x32xf32, #tpu.memory_space<vmem>>, vector<1x32xf32>
    %add3A = vector.broadcast %get3A_8 : vector<1x32xf32> to vector<8192x32xf32>
    %add3A_9 = arith.addf %dot_general3A_5, %add3A : vector<8192x32xf32>
    %max3A = arith.constant 0.000000e+00 : f32
    %max3A_10 = vector.broadcast %max3A : f32 to vector<8192x32xf32>
    %max3A_11 = arith.maximumf %add3A_9, %max3A_10 : vector<8192x32xf32>
    %swap3A = arith.constant 0 : index
    %swap3A_12 = arith.constant 0 : index
    %swap3A_13 = vector.load %arg4[%swap3A, %swap3A_12] : memref<8192x32xf32, #tpu.memory_space<vmem>>, vector<8192x32xf32>
    tpu.vector_store %arg4[%swap3A, %swap3A_12], %max3A_11 {strides = array<i32>} : memref<8192x32xf32, #tpu.memory_space<vmem>>, vector<8192x32xf32>,
    return
  }
  func.func @transform_0(%arg0: i32) -> (i32, i32) {
    %c0_i32 = arith.constant 0 : i32
    %c0_i32_0 = arith.constant 0 : i32
    return %arg0, %c0_i32 : i32, i32
  }
  func.func @transform_1(%arg0: i32) -> (i32, i32) {
    %c0_i32 = arith.constant 0 : i32
    %c0_i32_0 = arith.constant 0 : i32
    %c0_i32_1 = arith.constant 0 : i32
    return %c0_i32, %c0_i32_0 : i32, i32
  }
  func.func @transform_2(%arg0: i32) -> (i32, i32) {
    %c0_i32 = arith.constant 0 : i32
    %c0_i32_0 = arith.constant 0 : i32
    %c0_i32_1 = arith.constant 0 : i32
    return %c0_i32, %c0_i32_0 : i32, i32
  }
  func.func @transform_3(%arg0: i32) -> (i32, i32) {
    %c0_i32 = arith.constant 0 : i32
    %c0_i32_0 = arith.constant 0 : i32
    return %arg0, %c0_i32 : i32, i32
  }
}

module attributes {stable_mosaic.version = 14 : i64} {
  func.func @_mm_body(%arg0: i32, %arg1: memref<4096x512xf32, #tpu.memory_space<vmem>>, %arg2: memref<512x64xf32, #tpu.memory_space<vmem>>, %arg3: memref<1x64xf32, #tpu.memory_space<vmem>>, %arg4: memref<4096x64xf32, #tpu.memory_space<vmem>>) attributes {dimension_semantics = [#tpu.dimension_semantics<arbitrary>], iteration_bounds = array<i64: 32>, scalar_prefetch = 0 : i64, scratch_operands = 0 : i64, tpu.core_type = #tpu.core_type<tc>, window_params = [{transform_indices = @transform_0, window_bounds = array<i64: 4096, 512>}, {pipeline_mode = #tpu.pipeline_mode<synchronous>, transform_indices = @transform_1, window_bounds = array<i64: 512, 64>}, {pipeline_mode = #tpu.pipeline_mode<synchronous>, transform_indices = @transform_2, window_bounds = array<i64: 1, 64>}, {transform_indices = @transform_3, window_bounds = array<i64: 4096, 64>}]} {
    %get3A = arith.constant 0 : index
    %get3A_0 = arith.constant 0 : index
    %get3A_1 = vector.load %arg1[%get3A, %get3A_0] : memref<4096x512xf32, #tpu.memory_space<vmem>>, vector<4096x512xf32>
    %get3A_2 = arith.constant 0 : index
    %get3A_3 = arith.constant 0 : index
    %get3A_4 = vector.load %arg2[%get3A_2, %get3A_3] : memref<512x64xf32, #tpu.memory_space<vmem>>, vector<512x64xf32>
    %slice3A = vector.extract_strided_slice %get3A_1 {offsets = [0, 0], sizes = [4096, 128], strides = [1, 1]} : vector<4096x512xf32> to vector<4096x128xf32>
    %slice3A_5 = vector.extract_strided_slice %get3A_4 {offsets = [0, 0], sizes = [128, 64], strides = [1, 1]} : vector<512x64xf32> to vector<128x64xf32>
    %dot_general3A = arith.constant dense<0.000000e+00> : vector<4096x64xf32>
    %dot_general3A_6 = tpu.matmul %slice3A, %slice3A_5, %dot_general3A {dimension_numbers = #tpu.dot_dimension_numbers<[1], [0], [0], [1], [0, 0, 1, 1], [], []>, transpose_lhs_hint = false} : vector<4096x128xf32>, vector<128x64xf32>, vector<4096x64xf32> -> vector<4096x64xf32>
    %slice3A_7 = vector.extract_strided_slice %get3A_1 {offsets = [0, 128], sizes = [4096, 128], strides = [1, 1]} : vector<4096x512xf32> to vector<4096x128xf32>
    %slice3A_8 = vector.extract_strided_slice %get3A_4 {offsets = [128, 0], sizes = [128, 64], strides = [1, 1]} : vector<512x64xf32> to vector<128x64xf32>
    %dot_general3A_9 = arith.constant dense<0.000000e+00> : vector<4096x64xf32>
    %dot_general3A_10 = tpu.matmul %slice3A_7, %slice3A_8, %dot_general3A_9 {dimension_numbers = #tpu.dot_dimension_numbers<[1], [0], [0], [1], [0, 0, 1, 1], [], []>, transpose_lhs_hint = false} : vector<4096x128xf32>, vector<128x64xf32>, vector<4096x64xf32> -> vector<4096x64xf32>
    %slice3A_11 = vector.extract_strided_slice %get3A_1 {offsets = [0, 256], sizes = [4096, 128], strides = [1, 1]} : vector<4096x512xf32> to vector<4096x128xf32>
    %slice3A_12 = vector.extract_strided_slice %get3A_4 {offsets = [256, 0], sizes = [128, 64], strides = [1, 1]} : vector<512x64xf32> to vector<128x64xf32>
    %dot_general3A_13 = arith.constant dense<0.000000e+00> : vector<4096x64xf32>
    %dot_general3A_14 = tpu.matmul %slice3A_11, %slice3A_12, %dot_general3A_13 {dimension_numbers = #tpu.dot_dimension_numbers<[1], [0], [0], [1], [0, 0, 1, 1], [], []>, transpose_lhs_hint = false} : vector<4096x128xf32>, vector<128x64xf32>, vector<4096x64xf32> -> vector<4096x64xf32>
    %slice3A_15 = vector.extract_strided_slice %get3A_1 {offsets = [0, 384], sizes = [4096, 128], strides = [1, 1]} : vector<4096x512xf32> to vector<4096x128xf32>
    %slice3A_16 = vector.extract_strided_slice %get3A_4 {offsets = [384, 0], sizes = [128, 64], strides = [1, 1]} : vector<512x64xf32> to vector<128x64xf32>
    %dot_general3A_17 = arith.constant dense<0.000000e+00> : vector<4096x64xf32>
    %dot_general3A_18 = tpu.matmul %slice3A_15, %slice3A_16, %dot_general3A_17 {dimension_numbers = #tpu.dot_dimension_numbers<[1], [0], [0], [1], [0, 0, 1, 1], [], []>, transpose_lhs_hint = false} : vector<4096x128xf32>, vector<128x64xf32>, vector<4096x64xf32> -> vector<4096x64xf32>
    %add3A = arith.addf %dot_general3A_18, %dot_general3A_14 : vector<4096x64xf32>
    %add3A_19 = arith.addf %add3A, %dot_general3A_10 : vector<4096x64xf32>
    %add3A_20 = arith.addf %add3A_19, %dot_general3A_6 : vector<4096x64xf32>
    %get3A_21 = arith.constant 0 : index
    %get3A_22 = arith.constant 0 : index
    %get3A_23 = vector.load %arg3[%get3A_21, %get3A_22] : memref<1x64xf32, #tpu.memory_space<vmem>>, vector<1x64xf32>
    %add3A_24 = vector.broadcast %get3A_23 : vector<1x64xf32> to vector<4096x64xf32>
    %add3A_25 = arith.addf %add3A_20, %add3A_24 : vector<4096x64xf32>
    %max3A = arith.constant 0.000000e+00 : f32
    %max3A_26 = vector.broadcast %max3A : f32 to vector<4096x64xf32>
    %max3A_27 = arith.maximumf %add3A_25, %max3A_26 : vector<4096x64xf32>
    %swap3A = arith.constant 0 : index
    %swap3A_28 = arith.constant 0 : index
    %swap3A_29 = vector.load %arg4[%swap3A, %swap3A_28] : memref<4096x64xf32, #tpu.memory_space<vmem>>, vector<4096x64xf32>
    tpu.vector_store %arg4[%swap3A, %swap3A_28], %max3A_27 {strides = array<i32>} : memref<4096x64xf32, #tpu.memory_space<vmem>>, vector<4096x64xf32>,
    return
  }
  func.func @transform_0(%arg0: i32) -> (i32, i32) {
    %c0_i32 = arith.constant 0 : i32
    %c0_i32_0 = arith.constant 0 : i32
    return %arg0, %c0_i32 : i32, i32
  }
  func.func @transform_1(%arg0: i32) -> (i32, i32) {
    %c0_i32 = arith.constant 0 : i32
    %c0_i32_0 = arith.constant 0 : i32
    %c0_i32_1 = arith.constant 0 : i32
    return %c0_i32, %c0_i32_0 : i32, i32
  }
  func.func @transform_2(%arg0: i32) -> (i32, i32) {
    %c0_i32 = arith.constant 0 : i32
    %c0_i32_0 = arith.constant 0 : i32
    %c0_i32_1 = arith.constant 0 : i32
    return %c0_i32, %c0_i32_0 : i32, i32
  }
  func.func @transform_3(%arg0: i32) -> (i32, i32) {
    %c0_i32 = arith.constant 0 : i32
    %c0_i32_0 = arith.constant 0 : i32
    return %arg0, %c0_i32 : i32, i32
  }
}

module attributes {stable_mosaic.version = 14 : i64} {
  func.func @_mm_body(%arg0: i32, %arg1: memref<2048x1024xf32, #tpu.memory_space<vmem>>, %arg2: memref<1024x64xf32, #tpu.memory_space<vmem>>, %arg3: memref<1x64xf32, #tpu.memory_space<vmem>>, %arg4: memref<2048x64xf32, #tpu.memory_space<vmem>>) attributes {dimension_semantics = [#tpu.dimension_semantics<arbitrary>], iteration_bounds = array<i64: 16>, scalar_prefetch = 0 : i64, scratch_operands = 0 : i64, tpu.core_type = #tpu.core_type<tc>, window_params = [{transform_indices = @transform_0, window_bounds = array<i64: 2048, 1024>}, {pipeline_mode = #tpu.pipeline_mode<synchronous>, transform_indices = @transform_1, window_bounds = array<i64: 1024, 64>}, {pipeline_mode = #tpu.pipeline_mode<synchronous>, transform_indices = @transform_2, window_bounds = array<i64: 1, 64>}, {transform_indices = @transform_3, window_bounds = array<i64: 2048, 64>}]} {
    %get3A = arith.constant 0 : index
    %get3A_0 = arith.constant 0 : index
    %get3A_1 = vector.load %arg1[%get3A, %get3A_0] : memref<2048x1024xf32, #tpu.memory_space<vmem>>, vector<2048x1024xf32>
    %get3A_2 = arith.constant 0 : index
    %get3A_3 = arith.constant 0 : index
    %get3A_4 = vector.load %arg2[%get3A_2, %get3A_3] : memref<1024x64xf32, #tpu.memory_space<vmem>>, vector<1024x64xf32>
    %slice3A = vector.extract_strided_slice %get3A_1 {offsets = [0, 0], sizes = [2048, 256], strides = [1, 1]} : vector<2048x1024xf32> to vector<2048x256xf32>
    %slice3A_5 = vector.extract_strided_slice %get3A_4 {offsets = [0, 0], sizes = [256, 64], strides = [1, 1]} : vector<1024x64xf32> to vector<256x64xf32>
    %dot_general3A = arith.constant dense<0.000000e+00> : vector<2048x64xf32>
    %dot_general3A_6 = tpu.matmul %slice3A, %slice3A_5, %dot_general3A {dimension_numbers = #tpu.dot_dimension_numbers<[1], [0], [0], [1], [0, 0, 1, 1], [], []>, transpose_lhs_hint = false} : vector<2048x256xf32>, vector<256x64xf32>, vector<2048x64xf32> -> vector<2048x64xf32>
    %slice3A_7 = vector.extract_strided_slice %get3A_1 {offsets = [0, 256], sizes = [2048, 256], strides = [1, 1]} : vector<2048x1024xf32> to vector<2048x256xf32>
    %slice3A_8 = vector.extract_strided_slice %get3A_4 {offsets = [256, 0], sizes = [256, 64], strides = [1, 1]} : vector<1024x64xf32> to vector<256x64xf32>
    %dot_general3A_9 = arith.constant dense<0.000000e+00> : vector<2048x64xf32>
    %dot_general3A_10 = tpu.matmul %slice3A_7, %slice3A_8, %dot_general3A_9 {dimension_numbers = #tpu.dot_dimension_numbers<[1], [0], [0], [1], [0, 0, 1, 1], [], []>, transpose_lhs_hint = false} : vector<2048x256xf32>, vector<256x64xf32>, vector<2048x64xf32> -> vector<2048x64xf32>
    %slice3A_11 = vector.extract_strided_slice %get3A_1 {offsets = [0, 512], sizes = [2048, 256], strides = [1, 1]} : vector<2048x1024xf32> to vector<2048x256xf32>
    %slice3A_12 = vector.extract_strided_slice %get3A_4 {offsets = [512, 0], sizes = [256, 64], strides = [1, 1]} : vector<1024x64xf32> to vector<256x64xf32>
    %dot_general3A_13 = arith.constant dense<0.000000e+00> : vector<2048x64xf32>
    %dot_general3A_14 = tpu.matmul %slice3A_11, %slice3A_12, %dot_general3A_13 {dimension_numbers = #tpu.dot_dimension_numbers<[1], [0], [0], [1], [0, 0, 1, 1], [], []>, transpose_lhs_hint = false} : vector<2048x256xf32>, vector<256x64xf32>, vector<2048x64xf32> -> vector<2048x64xf32>
    %slice3A_15 = vector.extract_strided_slice %get3A_1 {offsets = [0, 768], sizes = [2048, 256], strides = [1, 1]} : vector<2048x1024xf32> to vector<2048x256xf32>
    %slice3A_16 = vector.extract_strided_slice %get3A_4 {offsets = [768, 0], sizes = [256, 64], strides = [1, 1]} : vector<1024x64xf32> to vector<256x64xf32>
    %dot_general3A_17 = arith.constant dense<0.000000e+00> : vector<2048x64xf32>
    %dot_general3A_18 = tpu.matmul %slice3A_15, %slice3A_16, %dot_general3A_17 {dimension_numbers = #tpu.dot_dimension_numbers<[1], [0], [0], [1], [0, 0, 1, 1], [], []>, transpose_lhs_hint = false} : vector<2048x256xf32>, vector<256x64xf32>, vector<2048x64xf32> -> vector<2048x64xf32>
    %add3A = arith.addf %dot_general3A_6, %dot_general3A_10 : vector<2048x64xf32>
    %add3A_19 = arith.addf %add3A, %dot_general3A_14 : vector<2048x64xf32>
    %add3A_20 = arith.addf %add3A_19, %dot_general3A_18 : vector<2048x64xf32>
    %get3A_21 = arith.constant 0 : index
    %get3A_22 = arith.constant 0 : index
    %get3A_23 = vector.load %arg3[%get3A_21, %get3A_22] : memref<1x64xf32, #tpu.memory_space<vmem>>, vector<1x64xf32>
    %add3A_24 = vector.broadcast %get3A_23 : vector<1x64xf32> to vector<2048x64xf32>
    %add3A_25 = arith.addf %add3A_20, %add3A_24 : vector<2048x64xf32>
    %swap3A = arith.constant 0 : index
    %swap3A_26 = arith.constant 0 : index
    %swap3A_27 = vector.load %arg4[%swap3A, %swap3A_26] : memref<2048x64xf32, #tpu.memory_space<vmem>>, vector<2048x64xf32>
    tpu.vector_store %arg4[%swap3A, %swap3A_26], %add3A_25 {strides = array<i32>} : memref<2048x64xf32, #tpu.memory_space<vmem>>, vector<2048x64xf32>,
    return
  }
  func.func @transform_0(%arg0: i32) -> (i32, i32) {
    %c0_i32 = arith.constant 0 : i32
    %c0_i32_0 = arith.constant 0 : i32
    return %arg0, %c0_i32 : i32, i32
  }
  func.func @transform_1(%arg0: i32) -> (i32, i32) {
    %c0_i32 = arith.constant 0 : i32
    %c0_i32_0 = arith.constant 0 : i32
    %c0_i32_1 = arith.constant 0 : i32
    return %c0_i32, %c0_i32_0 : i32, i32
  }
  func.func @transform_2(%arg0: i32) -> (i32, i32) {
    %c0_i32 = arith.constant 0 : i32
    %c0_i32_0 = arith.constant 0 : i32
    %c0_i32_1 = arith.constant 0 : i32
    return %c0_i32, %c0_i32_0 : i32, i32
  }
  func.func @transform_3(%arg0: i32) -> (i32, i32) {
    %c0_i32 = arith.constant 0 : i32
    %c0_i32_0 = arith.constant 0 : i32
    return %arg0, %c0_i32 : i32, i32
  }
}

module attributes {stable_mosaic.version = 14 : i64} {
  func.func @_vq_body(%arg0: i32, %arg1: memref<2048x64xf32, #tpu.memory_space<vmem>>, %arg2: memref<1024x64xf32, #tpu.memory_space<vmem>>, %arg3: memref<2048x1xf32, #tpu.memory_space<vmem>>, %arg4: memref<1x1024xf32, #tpu.memory_space<vmem>>, %arg5: memref<1x1x2048xi32, #tpu.memory_space<vmem>>, %arg6: memref<2048x64xf32, #tpu.memory_space<vmem>>, %arg7: memref<32x64xf32, #tpu.memory_space<vmem>>, %arg8: memref<1x1x1xf32, #tpu.memory_space<vmem>>) attributes {dimension_semantics = [#tpu.dimension_semantics<arbitrary>], iteration_bounds = array<i64: 16>, scalar_prefetch = 0 : i64, scratch_operands = 0 : i64, tpu.core_type = #tpu.core_type<tc>, window_params = [{transform_indices = @transform_0, window_bounds = array<i64: 2048, 64>}, {pipeline_mode = #tpu.pipeline_mode<synchronous>, transform_indices = @transform_1, window_bounds = array<i64: 1024, 64>}, {transform_indices = @transform_2, window_bounds = array<i64: 2048, 1>}, {pipeline_mode = #tpu.pipeline_mode<synchronous>, transform_indices = @transform_3, window_bounds = array<i64: 1, 1024>}, {transform_indices = @transform_4, window_bounds = array<i64: 1, 1, 2048>}, {transform_indices = @transform_5, window_bounds = array<i64: 2048, 64>}, {transform_indices = @transform_6, window_bounds = array<i64: 32, 64>}, {transform_indices = @transform_7, window_bounds = array<i64: 1, 1, 1>}]} {
    %get3A = arith.constant 0 : index
    %get3A_0 = arith.constant 0 : index
    %get3A_1 = vector.load %arg1[%get3A, %get3A_0] : memref<2048x64xf32, #tpu.memory_space<vmem>>, vector<2048x64xf32>
    %get3A_2 = arith.constant 0 : index
    %get3A_3 = arith.constant 0 : index
    %get3A_4 = vector.load %arg2[%get3A_2, %get3A_3] : memref<1024x64xf32, #tpu.memory_space<vmem>>, vector<1024x64xf32>
    %dot_general3A = arith.constant dense<0.000000e+00> : vector<2048x1024xf32>
    %dot_general3A_5 = tpu.matmul %get3A_1, %get3A_4, %dot_general3A {dimension_numbers = #tpu.dot_dimension_numbers<[1], [1], [0], [0], [0, 0, 1, 0], [], []>, transpose_lhs_hint = false} : vector<2048x64xf32>, vector<1024x64xf32>, vector<2048x1024xf32> -> vector<2048x1024xf32>
    %get3A_6 = arith.constant 0 : index
    %get3A_7 = arith.constant 0 : index
    %get3A_8 = vector.load %arg3[%get3A_6, %get3A_7] : memref<2048x1xf32, #tpu.memory_space<vmem>>, vector<2048x1xf32>
    %get3A_9 = arith.constant 0 : index
    %get3A_10 = arith.constant 0 : index
    %get3A_11 = vector.load %arg4[%get3A_9, %get3A_10] : memref<1x1024xf32, #tpu.memory_space<vmem>>, vector<1x1024xf32>
    %add3A = vector.broadcast %get3A_8 : vector<2048x1xf32> to vector<2048x1024xf32>
    %add3A_12 = vector.broadcast %get3A_11 : vector<1x1024xf32> to vector<2048x1024xf32>
    %add3A_13 = arith.addf %add3A, %add3A_12 : vector<2048x1024xf32>
    %mul3A = arith.constant 2.000000e+00 : f32
    %mul3A_14 = vector.broadcast %mul3A : f32 to vector<2048x1024xf32>
    %mul3A_15 = arith.mulf %mul3A_14, %dot_general3A_5 : vector<2048x1024xf32>
    %sub3A = arith.subf %add3A_13, %mul3A_15 : vector<2048x1024xf32>
    %max3A = arith.constant 0.000000e+00 : f32
    %max3A_16 = vector.broadcast %max3A : f32 to vector<2048x1024xf32>
    %max3A_17 = arith.maximumf %sub3A, %max3A_16 : vector<2048x1024xf32>
    %sqrt3A = math.sqrt %max3A_17 : vector<2048x1024xf32>
    %reduce_min3A = arith.constant dense<0x7F800000> : vector<2048xf32>
    %reduce_min3A_18 = vector.multi_reduction <minimumf>, %sqrt3A, %reduce_min3A [1] : vector<2048x1024xf32> to vector<2048xf32>
    %broadcast_in_dim3A = vector.shape_cast %reduce_min3A_18 : vector<2048xf32> to vector<2048x1xf32>
    %iota3A = tpu.iota {dimensions = array<i32: 1>} : vector<2048x1024xi32>
    %le3A = vector.broadcast %broadcast_in_dim3A : vector<2048x1xf32> to vector<2048x1024xf32>
    %le3A_19 = arith.cmpf ole, %sqrt3A, %le3A : vector<2048x1024xf32>
    %jit3A = arith.constant 1073741824 : i32
    %broadcast_in_dim3A_20 = vector.broadcast %jit3A : i32 to vector<2048x1024xi32>
    %select_n3A = arith.select %le3A_19, %iota3A, %broadcast_in_dim3A_20 : vector<2048x1024xi1>, vector<2048x1024xi32>
    %reduce_min3A_21 = arith.constant dense<2147483647> : vector<2048xi32>
    %reduce_min3A_22 = vector.multi_reduction <minsi>, %select_n3A, %reduce_min3A_21 [1] : vector<2048x1024xi32> to vector<2048xi32>
    %broadcast_in_dim3A_23 = vector.shape_cast %reduce_min3A_22 : vector<2048xi32> to vector<1x1x2048xi32>
    %swap3A = arith.constant 0 : index
    %swap3A_24 = arith.constant 0 : index
    %swap3A_25 = arith.constant 0 : index
    %swap3A_26 = vector.load %arg5[%swap3A, %swap3A_24, %swap3A_25] : memref<1x1x2048xi32, #tpu.memory_space<vmem>>, vector<1x1x2048xi32>
    tpu.vector_store %arg5[%swap3A, %swap3A_24, %swap3A_25], %broadcast_in_dim3A_23 {strides = array<i32>} : memref<1x1x2048xi32, #tpu.memory_space<vmem>>, vector<1x1x2048xi32>,
    %broadcast_in_dim3A_27 = vector.shape_cast %reduce_min3A_22 : vector<2048xi32> to vector<2048x1xi32>
    %eq3A = vector.broadcast %broadcast_in_dim3A_27 : vector<2048x1xi32> to vector<2048x1024xi32>
    %eq3A_28 = arith.cmpi eq, %iota3A, %eq3A : vector<2048x1024xi32>
    %convert_element_type3A = arith.extui %eq3A_28 : vector<2048x1024xi1> to vector<2048x1024xi32>
    %convert_element_type3A_29 = arith.sitofp %convert_element_type3A : vector<2048x1024xi32> to vector<2048x1024xf32>
    %dot_general3A_30 = arith.constant dense<0.000000e+00> : vector<2048x64xf32>
    %dot_general3A_31 = tpu.matmul %convert_element_type3A_29, %get3A_4, %dot_general3A_30 {dimension_numbers = #tpu.dot_dimension_numbers<[1], [0], [0], [1], [0, 0, 1, 1], [], []>, transpose_lhs_hint = false} : vector<2048x1024xf32>, vector<1024x64xf32>, vector<2048x64xf32> -> vector<2048x64xf32>
    %swap3A_32 = arith.constant 0 : index
    %swap3A_33 = arith.constant 0 : index
    %swap3A_34 = vector.load %arg6[%swap3A_32, %swap3A_33] : memref<2048x64xf32, #tpu.memory_space<vmem>>, vector<2048x64xf32>
    tpu.vector_store %arg6[%swap3A_32, %swap3A_33], %dot_general3A_31 {strides = array<i32>} : memref<2048x64xf32, #tpu.memory_space<vmem>>, vector<2048x64xf32>,
    %reshape3A = vector.shape_cast %dot_general3A_31 : vector<2048x64xf32> to vector<32x64x64xf32>
    %reduce_sum3A = arith.constant dense<0.000000e+00> : vector<32x64xf32>
    %reduce_sum3A_35 = vector.multi_reduction <add>, %reshape3A, %reduce_sum3A [1] : vector<32x64x64xf32> to vector<32x64xf32>
    %div3A = arith.constant 6.400000e+01 : f32
    %div3A_36 = vector.broadcast %div3A : f32 to vector<32x64xf32>
    %div3A_37 = arith.divf %reduce_sum3A_35, %div3A_36 : vector<32x64xf32>
    %swap3A_38 = arith.constant 0 : index
    %swap3A_39 = arith.constant 0 : index
    %swap3A_40 = vector.load %arg7[%swap3A_38, %swap3A_39] : memref<32x64xf32, #tpu.memory_space<vmem>>, vector<32x64xf32>
    tpu.vector_store %arg7[%swap3A_38, %swap3A_39], %div3A_37 {strides = array<i32>} : memref<32x64xf32, #tpu.memory_space<vmem>>, vector<32x64xf32>,
    %sub3A_41 = arith.subf %dot_general3A_31, %get3A_1 : vector<2048x64xf32>
    %mul3A_42 = arith.mulf %sub3A_41, %sub3A_41 : vector<2048x64xf32>
    %reduce_sum3A_43 = vector.shape_cast %mul3A_42 : vector<2048x64xf32> to vector<1x2048x64xf32>
    %reduce_sum3A_44 = arith.constant dense<0.000000e+00> : vector<1xf32>
    %reduce_sum3A_45 = vector.multi_reduction <add>, %reduce_sum3A_43, %reduce_sum3A_44 [1, 2] : vector<1x2048x64xf32> to vector<1xf32>
    %reduce_sum3A_46 = vector.shape_cast %reduce_sum3A_45 : vector<1xf32> to vector<1x1x1xf32>
    %reduce_sum3A_47 = vector.extract %reduce_sum3A_46[0, 0, 0] : f32 from vector<1x1x1xf32>
    %reshape3A_48 = vector.broadcast %reduce_sum3A_47 : f32 to vector<1x1x1xf32>
    %swap3A_49 = arith.constant 0 : index
    %swap3A_50 = arith.constant 0 : index
    %swap3A_51 = arith.constant 0 : index
    %swap3A_52 = vector.load %arg8[%swap3A_49, %swap3A_50, %swap3A_51] : memref<1x1x1xf32, #tpu.memory_space<vmem>>, vector<1x1x1xf32>
    tpu.vector_store %arg8[%swap3A_49, %swap3A_50, %swap3A_51], %reshape3A_48 {strides = array<i32>} : memref<1x1x1xf32, #tpu.memory_space<vmem>>, vector<1x1x1xf32>,
    return
  }
  func.func @transform_0(%arg0: i32) -> (i32, i32) {
    %c0_i32 = arith.constant 0 : i32
    %c0_i32_0 = arith.constant 0 : i32
    return %arg0, %c0_i32 : i32, i32
  }
  func.func @transform_1(%arg0: i32) -> (i32, i32) {
    %c0_i32 = arith.constant 0 : i32
    %c0_i32_0 = arith.constant 0 : i32
    %c0_i32_1 = arith.constant 0 : i32
    return %c0_i32, %c0_i32_0 : i32, i32
  }
  func.func @transform_2(%arg0: i32) -> (i32, i32) {
    %c0_i32 = arith.constant 0 : i32
    %c0_i32_0 = arith.constant 0 : i32
    return %arg0, %c0_i32 : i32, i32
  }
  func.func @transform_3(%arg0: i32) -> (i32, i32) {
    %c0_i32 = arith.constant 0 : i32
    %c0_i32_0 = arith.constant 0 : i32
    %c0_i32_1 = arith.constant 0 : i32
    return %c0_i32, %c0_i32_0 : i32, i32
  }
  func.func @transform_4(%arg0: i32) -> (i32, i32, i32) {
    %c0_i32 = arith.constant 0 : i32
    %c0_i32_0 = arith.constant 0 : i32
    %c0_i32_1 = arith.constant 0 : i32
    return %arg0, %c0_i32, %c0_i32_0 : i32, i32, i32
  }
  func.func @transform_5(%arg0: i32) -> (i32, i32) {
    %c0_i32 = arith.constant 0 : i32
    %c0_i32_0 = arith.constant 0 : i32
    return %arg0, %c0_i32 : i32, i32
  }
  func.func @transform_6(%arg0: i32) -> (i32, i32) {
    %c0_i32 = arith.constant 0 : i32
    %c0_i32_0 = arith.constant 0 : i32
    return %arg0, %c0_i32 : i32, i32
  }
  func.func @transform_7(%arg0: i32) -> (i32, i32, i32) {
    %c0_i32 = arith.constant 0 : i32
    %c0_i32_0 = arith.constant 0 : i32
    %c0_i32_1 = arith.constant 0 : i32
    return %arg0, %c0_i32, %c0_i32_0 : i32, i32, i32
  }
}

module attributes {stable_mosaic.version = 14 : i64} {
  func.func @_mm_body(%arg0: i32, %arg1: i32, %arg2: memref<1x2048x256xf32, #tpu.memory_space<vmem>>, %arg3: memref<1x256x64xf32, #tpu.memory_space<vmem>>, %arg4: memref<1x1x64xf32, #tpu.memory_space<vmem>>, %arg5: memref<1x2048x64xf32, #tpu.memory_space<vmem>>) attributes {dimension_semantics = [#tpu.dimension_semantics<arbitrary>, #tpu.dimension_semantics<arbitrary>], iteration_bounds = array<i64: 4, 16>, scalar_prefetch = 0 : i64, scratch_operands = 0 : i64, tpu.core_type = #tpu.core_type<tc>, window_params = [{transform_indices = @transform_0, window_bounds = array<i64: 1, 2048, 256>}, {transform_indices = @transform_1, window_bounds = array<i64: 1, 256, 64>}, {pipeline_mode = #tpu.pipeline_mode<synchronous>, transform_indices = @transform_2, window_bounds = array<i64: 1, 1, 64>}, {transform_indices = @transform_3, window_bounds = array<i64: 1, 2048, 64>}]} {
    %get3A = arith.constant 0 : index
    %get3A_0 = arith.constant 0 : index
    %get3A_1 = arith.constant 0 : index
    %get3A_2 = vector.load %arg2[%get3A, %get3A_0, %get3A_1] : memref<1x2048x256xf32, #tpu.memory_space<vmem>>, vector<1x2048x256xf32>
    %reshape3A = vector.shape_cast %get3A_2 : vector<1x2048x256xf32> to vector<2048x256xf32>
    %get3A_3 = arith.constant 0 : index
    %get3A_4 = arith.constant 0 : index
    %get3A_5 = arith.constant 0 : index
    %get3A_6 = vector.load %arg3[%get3A_3, %get3A_4, %get3A_5] : memref<1x256x64xf32, #tpu.memory_space<vmem>>, vector<1x256x64xf32>
    %reshape3A_7 = vector.shape_cast %get3A_6 : vector<1x256x64xf32> to vector<256x64xf32>
    %dot_general3A = arith.constant dense<0.000000e+00> : vector<2048x64xf32>
    %dot_general3A_8 = tpu.matmul %reshape3A, %reshape3A_7, %dot_general3A {dimension_numbers = #tpu.dot_dimension_numbers<[1], [0], [0], [1], [0, 0, 1, 1], [], []>, transpose_lhs_hint = false} : vector<2048x256xf32>, vector<256x64xf32>, vector<2048x64xf32> -> vector<2048x64xf32>
    %get3A_9 = arith.constant 0 : index
    %get3A_10 = arith.constant 0 : index
    %get3A_11 = arith.constant 0 : index
    %get3A_12 = vector.load %arg4[%get3A_9, %get3A_10, %get3A_11] : memref<1x1x64xf32, #tpu.memory_space<vmem>>, vector<1x1x64xf32>
    %reshape3A_13 = vector.shape_cast %get3A_12 : vector<1x1x64xf32> to vector<1x64xf32>
    %add3A = vector.broadcast %reshape3A_13 : vector<1x64xf32> to vector<2048x64xf32>
    %add3A_14 = arith.addf %dot_general3A_8, %add3A : vector<2048x64xf32>
    %max3A = arith.constant 0.000000e+00 : f32
    %max3A_15 = vector.broadcast %max3A : f32 to vector<2048x64xf32>
    %max3A_16 = arith.maximumf %add3A_14, %max3A_15 : vector<2048x64xf32>
    %reshape3A_17 = vector.shape_cast %max3A_16 : vector<2048x64xf32> to vector<1x2048x64xf32>
    %swap3A = arith.constant 0 : index
    %swap3A_18 = arith.constant 0 : index
    %swap3A_19 = arith.constant 0 : index
    %swap3A_20 = vector.load %arg5[%swap3A, %swap3A_18, %swap3A_19] : memref<1x2048x64xf32, #tpu.memory_space<vmem>>, vector<1x2048x64xf32>
    tpu.vector_store %arg5[%swap3A, %swap3A_18, %swap3A_19], %reshape3A_17 {strides = array<i32>} : memref<1x2048x64xf32, #tpu.memory_space<vmem>>, vector<1x2048x64xf32>,
    return
  }
  func.func @transform_0(%arg0: i32, %arg1: i32) -> (i32, i32, i32) {
    %c0_i32 = arith.constant 0 : i32
    %c0_i32_0 = arith.constant 0 : i32
    return %arg0, %arg1, %c0_i32 : i32, i32, i32
  }
  func.func @transform_1(%arg0: i32, %arg1: i32) -> (i32, i32, i32) {
    %c0_i32 = arith.constant 0 : i32
    %c0_i32_0 = arith.constant 0 : i32
    %c0_i32_1 = arith.constant 0 : i32
    return %arg0, %c0_i32, %c0_i32_0 : i32, i32, i32
  }
  func.func @transform_2(%arg0: i32, %arg1: i32) -> (i32, i32, i32) {
    %c0_i32 = arith.constant 0 : i32
    %c0_i32_0 = arith.constant 0 : i32
    %c0_i32_1 = arith.constant 0 : i32
    %c0_i32_2 = arith.constant 0 : i32
    return %c0_i32, %c0_i32_0, %c0_i32_1 : i32, i32, i32
  }
  func.func @transform_3(%arg0: i32, %arg1: i32) -> (i32, i32, i32) {
    %c0_i32 = arith.constant 0 : i32
    %c0_i32_0 = arith.constant 0 : i32
    return %arg0, %arg1, %c0_i32 : i32, i32, i32
  }
}

module attributes {stable_mosaic.version = 14 : i64} {
  func.func @_mm_body(%arg0: i32, %arg1: i32, %arg2: memref<1x4096x256xf32, #tpu.memory_space<vmem>>, %arg3: memref<1x256x32xf32, #tpu.memory_space<vmem>>, %arg4: memref<1x1x32xf32, #tpu.memory_space<vmem>>, %arg5: memref<1x4096x32xf32, #tpu.memory_space<vmem>>) attributes {dimension_semantics = [#tpu.dimension_semantics<arbitrary>, #tpu.dimension_semantics<arbitrary>], iteration_bounds = array<i64: 4, 32>, scalar_prefetch = 0 : i64, scratch_operands = 0 : i64, tpu.core_type = #tpu.core_type<tc>, window_params = [{transform_indices = @transform_0, window_bounds = array<i64: 1, 4096, 256>}, {transform_indices = @transform_1, window_bounds = array<i64: 1, 256, 32>}, {pipeline_mode = #tpu.pipeline_mode<synchronous>, transform_indices = @transform_2, window_bounds = array<i64: 1, 1, 32>}, {transform_indices = @transform_3, window_bounds = array<i64: 1, 4096, 32>}]} {
    %get3A = arith.constant 0 : index
    %get3A_0 = arith.constant 0 : index
    %get3A_1 = arith.constant 0 : index
    %get3A_2 = vector.load %arg2[%get3A, %get3A_0, %get3A_1] : memref<1x4096x256xf32, #tpu.memory_space<vmem>>, vector<1x4096x256xf32>
    %reshape3A = vector.shape_cast %get3A_2 : vector<1x4096x256xf32> to vector<4096x256xf32>
    %get3A_3 = arith.constant 0 : index
    %get3A_4 = arith.constant 0 : index
    %get3A_5 = arith.constant 0 : index
    %get3A_6 = vector.load %arg3[%get3A_3, %get3A_4, %get3A_5] : memref<1x256x32xf32, #tpu.memory_space<vmem>>, vector<1x256x32xf32>
    %reshape3A_7 = vector.shape_cast %get3A_6 : vector<1x256x32xf32> to vector<256x32xf32>
    %dot_general3A = arith.constant dense<0.000000e+00> : vector<4096x32xf32>
    %dot_general3A_8 = tpu.matmul %reshape3A, %reshape3A_7, %dot_general3A {dimension_numbers = #tpu.dot_dimension_numbers<[1], [0], [0], [1], [0, 0, 1, 1], [], []>, transpose_lhs_hint = false} : vector<4096x256xf32>, vector<256x32xf32>, vector<4096x32xf32> -> vector<4096x32xf32>
    %get3A_9 = arith.constant 0 : index
    %get3A_10 = arith.constant 0 : index
    %get3A_11 = arith.constant 0 : index
    %get3A_12 = vector.load %arg4[%get3A_9, %get3A_10, %get3A_11] : memref<1x1x32xf32, #tpu.memory_space<vmem>>, vector<1x1x32xf32>
    %reshape3A_13 = vector.shape_cast %get3A_12 : vector<1x1x32xf32> to vector<1x32xf32>
    %add3A = vector.broadcast %reshape3A_13 : vector<1x32xf32> to vector<4096x32xf32>
    %add3A_14 = arith.addf %dot_general3A_8, %add3A : vector<4096x32xf32>
    %max3A = arith.constant 0.000000e+00 : f32
    %max3A_15 = vector.broadcast %max3A : f32 to vector<4096x32xf32>
    %max3A_16 = arith.maximumf %add3A_14, %max3A_15 : vector<4096x32xf32>
    %reshape3A_17 = vector.shape_cast %max3A_16 : vector<4096x32xf32> to vector<1x4096x32xf32>
    %swap3A = arith.constant 0 : index
    %swap3A_18 = arith.constant 0 : index
    %swap3A_19 = arith.constant 0 : index
    %swap3A_20 = vector.load %arg5[%swap3A, %swap3A_18, %swap3A_19] : memref<1x4096x32xf32, #tpu.memory_space<vmem>>, vector<1x4096x32xf32>
    tpu.vector_store %arg5[%swap3A, %swap3A_18, %swap3A_19], %reshape3A_17 {strides = array<i32>} : memref<1x4096x32xf32, #tpu.memory_space<vmem>>, vector<1x4096x32xf32>,
    return
  }
  func.func @transform_0(%arg0: i32, %arg1: i32) -> (i32, i32, i32) {
    %c0_i32 = arith.constant 0 : i32
    %c0_i32_0 = arith.constant 0 : i32
    return %arg0, %arg1, %c0_i32 : i32, i32, i32
  }
  func.func @transform_1(%arg0: i32, %arg1: i32) -> (i32, i32, i32) {
    %c0_i32 = arith.constant 0 : i32
    %c0_i32_0 = arith.constant 0 : i32
    %c0_i32_1 = arith.constant 0 : i32
    return %arg0, %c0_i32, %c0_i32_0 : i32, i32, i32
  }
  func.func @transform_2(%arg0: i32, %arg1: i32) -> (i32, i32, i32) {
    %c0_i32 = arith.constant 0 : i32
    %c0_i32_0 = arith.constant 0 : i32
    %c0_i32_1 = arith.constant 0 : i32
    %c0_i32_2 = arith.constant 0 : i32
    return %c0_i32, %c0_i32_0, %c0_i32_1 : i32, i32, i32
  }
  func.func @transform_3(%arg0: i32, %arg1: i32) -> (i32, i32, i32) {
    %c0_i32 = arith.constant 0 : i32
    %c0_i32_0 = arith.constant 0 : i32
    return %arg0, %arg1, %c0_i32 : i32, i32, i32
  }
}

module attributes {stable_mosaic.version = 14 : i64} {
  func.func @_mm4f_body(%arg0: i32, %arg1: i32, %arg2: memref<1x8192x128xf32, #tpu.memory_space<vmem>>, %arg3: memref<1x128x1xf32, #tpu.memory_space<vmem>>, %arg4: memref<1x1x1xf32, #tpu.memory_space<vmem>>, %arg5: memref<1x1x8192xf32, #tpu.memory_space<vmem>>) attributes {dimension_semantics = [#tpu.dimension_semantics<arbitrary>, #tpu.dimension_semantics<arbitrary>], iteration_bounds = array<i64: 4, 64>, scalar_prefetch = 0 : i64, scratch_operands = 0 : i64, tpu.core_type = #tpu.core_type<tc>, window_params = [{transform_indices = @transform_0, window_bounds = array<i64: 1, 8192, 128>}, {transform_indices = @transform_1, window_bounds = array<i64: 1, 128, 1>}, {pipeline_mode = #tpu.pipeline_mode<synchronous>, transform_indices = @transform_2, window_bounds = array<i64: 1, 1, 1>}, {transform_indices = @transform_3, window_bounds = array<i64: 1, 1, 8192>}]} {
    %get3A = arith.constant 0 : index
    %get3A_0 = arith.constant 0 : index
    %get3A_1 = arith.constant 0 : index
    %get3A_2 = vector.load %arg2[%get3A, %get3A_0, %get3A_1] : memref<1x8192x128xf32, #tpu.memory_space<vmem>>, vector<1x8192x128xf32>
    %reshape3A = vector.shape_cast %get3A_2 : vector<1x8192x128xf32> to vector<8192x128xf32>
    %get3A_3 = arith.constant 0 : index
    %get3A_4 = arith.constant 0 : index
    %get3A_5 = arith.constant 0 : index
    %get3A_6 = vector.load %arg3[%get3A_3, %get3A_4, %get3A_5] : memref<1x128x1xf32, #tpu.memory_space<vmem>>, vector<1x128x1xf32>
    %reshape3A_7 = vector.shape_cast %get3A_6 : vector<1x128x1xf32> to vector<128x1xf32>
    %dot_general3A = arith.constant dense<0.000000e+00> : vector<8192x1xf32>
    %dot_general3A_8 = tpu.matmul %reshape3A, %reshape3A_7, %dot_general3A {dimension_numbers = #tpu.dot_dimension_numbers<[1], [0], [0], [1], [0, 0, 1, 1], [], []>, transpose_lhs_hint = false} : vector<8192x128xf32>, vector<128x1xf32>, vector<8192x1xf32> -> vector<8192x1xf32>
    %get3A_9 = arith.constant 0 : index
    %get3A_10 = arith.constant 0 : index
    %get3A_11 = arith.constant 0 : index
    %get3A_12 = vector.load %arg4[%get3A_9, %get3A_10, %get3A_11] : memref<1x1x1xf32, #tpu.memory_space<vmem>>, vector<1x1x1xf32>
    %reshape3A_13 = vector.shape_cast %get3A_12 : vector<1x1x1xf32> to vector<1x1xf32>
    %add3A = vector.broadcast %reshape3A_13 : vector<1x1xf32> to vector<8192x1xf32>
    %add3A_14 = arith.addf %dot_general3A_8, %add3A : vector<8192x1xf32>
    %tanh3A = math.tanh %add3A_14 : vector<8192x1xf32>
    %reshape3A_15 = vector.shape_cast %tanh3A : vector<8192x1xf32> to vector<1x1x8192xf32>
    %swap3A = arith.constant 0 : index
    %swap3A_16 = arith.constant 0 : index
    %swap3A_17 = arith.constant 0 : index
    %swap3A_18 = vector.load %arg5[%swap3A, %swap3A_16, %swap3A_17] : memref<1x1x8192xf32, #tpu.memory_space<vmem>>, vector<1x1x8192xf32>
    tpu.vector_store %arg5[%swap3A, %swap3A_16, %swap3A_17], %reshape3A_15 {strides = array<i32>} : memref<1x1x8192xf32, #tpu.memory_space<vmem>>, vector<1x1x8192xf32>,
    return
  }
  func.func @transform_0(%arg0: i32, %arg1: i32) -> (i32, i32, i32) {
    %c0_i32 = arith.constant 0 : i32
    %c0_i32_0 = arith.constant 0 : i32
    return %arg0, %arg1, %c0_i32 : i32, i32, i32
  }
  func.func @transform_1(%arg0: i32, %arg1: i32) -> (i32, i32, i32) {
    %c0_i32 = arith.constant 0 : i32
    %c0_i32_0 = arith.constant 0 : i32
    %c0_i32_1 = arith.constant 0 : i32
    return %arg0, %c0_i32, %c0_i32_0 : i32, i32, i32
  }
  func.func @transform_2(%arg0: i32, %arg1: i32) -> (i32, i32, i32) {
    %c0_i32 = arith.constant 0 : i32
    %c0_i32_0 = arith.constant 0 : i32
    %c0_i32_1 = arith.constant 0 : i32
    %c0_i32_2 = arith.constant 0 : i32
    return %c0_i32, %c0_i32_0, %c0_i32_1 : i32, i32, i32
  }
  func.func @transform_3(%arg0: i32, %arg1: i32) -> (i32, i32, i32) {
    %mul3A = arith.constant 64 : i32
    %mul3A_0 = arith.muli %arg0, %mul3A : i32
    %add3A = arith.addi %mul3A_0, %arg1 : i32
    %c0_i32 = arith.constant 0 : i32
    %c0_i32_1 = arith.constant 0 : i32
    %c0_i32_2 = arith.constant 0 : i32
    return %add3A, %c0_i32, %c0_i32_1 : i32, i32, i32
  }
}

</mosaic_0001>

<sc_bundles>
// kernel: sparse-core-data-format-call.1.cloned.1.call-start
scs
called_computation.1_lowered:
.L_overlay_start_0:
0x0: {  	s1 =	sld [smem:$0x3FD9]  }
0x1: {  	s2 =	sld [smem:$0x3FFE];
	_ =	sdelay $0x1  }
0x2: {  	s3 =	srdreg.scid  }
0x3: {  	s0 =	sand.u32 $0x1, s3  }
0x4: {  	s17 =	sshll.u32 s0, $0xA;
	s1 =	sadd.s32 s2, s1  }
0x5: {  	s1 =	sadd.s32 s1, s17  }
0x6: {  	[smem:$0x3FBA] =	sst s1  }
0x7: {  	_ = 	snop  }
0x8: {  	(tm) =	ssettm $0x1  }
0x9: {  	s18 =	sld [smem:$0x3FFB];
	_ =	sdelay $0x3  }
0xa: {  	_ =	strace s18  }
0xb: {  	s1 =	sld [smem:$0x3FFC];
	_ =	sdelay $0x3  }
0xc: {  	_ =	strace s1  }
0xd: {  	s1 =	sld [smem:$0x3FFD];
	_ =	sdelay $0x3  }
0xe: {  	_ =	strace s1  }
0xf: {  	_ =	strace $0x8FFFFFFF  }
0x10: {  	s19 =	sld [smem:$0x3FDB];
	_ =	sdelay $0x1  }
0x11: {  	s20 =	simm.s32 $_scs_section_size  }
0x12: {  	s4 =	simm.s32 $_size__tile_overlayer_lowered;
	s5 =	simm.s32 $_tile_overlayer_lowered  }
0x13: {  	s23 =	simm.s32 $0x1BFF;
	s22 =	sshll.u32 s5, $0x1;
	s1 =	sadd.s32 s20, s19  }
0x14: {  	s6 =	simm.s32 $0x0;
	s21 =	sshll.u32 s4, $0x1;
	s4 =	sadd.s32 s22, s1  }
0x15: {  	[timem:s6], [sflag:s23] =	dma.local [hbm:s4], s21  }
0x16: {  	_ =	swait.ge [sflag:s23], s21  }
0x17: {  	s2 =	ssub.s32 $0x0, s21;
	[sflag:s23] =	ssyncset.done $0x0  }
0x18: {  	[sflag:s23] =	ssyncadd.s32 s2;
	_ =	sdelay $0x1  }
0x19: {  	s24 =	simm.s32 $0x1B8B  }
0x1a: {  	_ =	swait.ge [sflag:s24], $0x1  }
0x1b: {  	[sflag:s24] =	ssyncset.done $0x0  }
0x1c: {  	s26 =	simm.s32 $0x1B8E;
	s25 =	sld [smem:$0x3FFE];
	[sflag:s24] =	ssyncadd.s32 $0xFFFFFFFF  }
0x1d: {  	s27 =	simm.s32 $execute0_lowered;
	[smem:$0x3FD2] =	sst s26  }
0x1e: {  	s4 =	sshll.u32 s27, $0x1;
	_ =	strace $0x8000004C;
	[dreg:$0x1] =	wrdreg $0xFFFFFFFF  }
0x1f: {  	s28 =	simm.s32 $_size_execute0_lowered;
	s1 =	sadd.s32 s1, s4;
	[dreg:$0x0] =	wrdreg $0x0  }
0x20: {  	s4 =	sshll.u32 s28, $0x1;
	[dreg:$0x2] =	wrdreg s1  }
0x21: {  	[dreg:$0x3] =	wrdreg s4  }
0x22: {  	[dreg:$0x4] =	wrdreg $0xC0  }
0x23: {  	_ =	task [dreg:s6], $0x5FFFF  }
0x24: {  	[dreg:$0x1] =	wrdreg $0xFFFFFFFF  }
0x25: {  	[dreg:$0x0] =	wrdreg $0x60  }
0x26: {  	[dreg:$0x2] =	wrdreg s25  }
0x27: {  	[dreg:$0x3] =	wrdreg $0x9  }
0x28: {  	_ =	task.clear_ibuf [dreg:s6], $0x4FFFF;
	_ =	strace $0x9000004C  }
0x29: {  	s29 =	simm.s32 $0x9;
	_ =	strace $0x8000004E  }
0x2a: {  	_ =	swait.ge [sflag:s29], $0x1  }
0x2b: {  	[sflag:s29] =	ssyncadd.s32 $0xFFFFFFFF  }
0x2c: {  	_ =	strace $0x9000004E  }
0x2d: {  	_ =	sfence  }
0x2e: {  	s30 =	sld [smem:$0x0];
	_ =	sdelay $0x2  }
0x2f: {  	s31 =	sshll.u32 s3, $0xD;
	s3 =	sshrl.u32 s3, $0x2  }
0x30: {  	s2 =	sand.u32 $0x4000, s31;
	s1 =	sadd.s32 s3, s30  }
0x31: {  	s0 =	sor.u32 s2, s0;
	s1 =	sshll.u32 s1, $0x11  }
0x32: {  	s0 =	sor.u32 s1, s0  }
0x33: {  	s0 =	sadd.s32 $0x8F2B, s0  }
0x34: {  	[sflag:s0] =	ssyncadd.remote.s32 $0x1  }
0x35: {  	_ =	sfence.sel $0xFFFF  }
0x36: {  	[dreg:$0x0] =	wrdreg $0xFFFFFFFF;
	(pc) =	sbr.abs _section_cstart, $3  }
0x37: {  	[dreg:$0x1] =	wrdreg $0xFFFFFFFF  }
0x38: {  	_ =	task.clear_ibuf [dreg:s6], $0x2FFFF;
	_ =	strace $0x9FFFFFFF  }
0x39: {  	(tm) =	ssettm $0x7FFFFFFF  }
tec
execute0_lowered:
.L_overlay_start_1:
0x0: {  	(tag) =	ssettag $0x1  }
0x1: {  	s0 =	stileid.u32  }
0x2: {  	s7 =	rddreg [dreg:$0x0];
	s2 =	srdreg.scid;
	s31 =	simm.s32 $0x2  }
0x3: {  	s19 =	simm.s32 $0x0;
	s10 =	simm.s32 $0x40;
	s11 =	simm.s32 $0x1000  }
0x4: {  	s12 =	simm.s32 $0x0;
	s20 =	simm.s32 $0x0;
	s21 =	simm.s32 $0x0  }
0x5: {  	s22 =	simm.s32 $0x0;
	s23 =	simm.s32 $0x0;
	s13 =	simm.s32 $0x0  }
0x6: {  	s14 =	simm.s32 $0x0;
	s18 =	simm.s32 $0x0;
	s1 =	sand.u32 $0x1, s0  }
0x7: {  	s3 =	sshrl.u32 s0, $0x1;
	s4 =	sshll.u32 s0, $0x3;
	s5 =	sshll.u32 s2, $0x7  }
0x8: {  	s2 =	sand.u32 $0x1, s3;
	s26 =	sor.u32 s4, s5;
	s27 =	ssub.s32 $0x2, s1  }
0x9: {  	s3 =	sand.u32 $0xE0, s26;
	s28 =	sshrl.u32 s27, $0x1;
	s4 =	sand.u32 $0x1, s27  }
0xa: {  	s29 =	ssub.s32 $0x2, s2;
	s4 =	sadd.s32 s4, s28;
	s6 =	ssub.s32 $0x200, s3  }
0xb: {  	s8 =	sshrl.u32 s29, $0x1;
	s5 =	sand.u32 $0x1, s29;
	s9 =	sand.u32 $0xE0, s6  }
0xc: {  	s5 =	sadd.s32 s5, s8;
	s8 =	simm.s32 $0x1;
	p0 =	sne.s32 s9, $0x0  }
0xd: {  	s6 =	sshrl.u32 s6, $0x8;
	s30 =	smul.u32 s5, s4;
	s8 =	simm.s32 @!p0 $0x0  }
.Ltmp0:
0xe: {  	s4 =	rddreg [dreg:$0x1];
	s6 =	sadd.s32 s8, s6;
	(pc) =	sbr.rel .LBB1_1-.Ltmp0, $4  }
0xf: {  	_ =	strace $0x8000004D;
	s5 =	simm.s32 $0x1;
	s8 =	smul.u32 s6, s30  }
0x10: {  	s17 =	smov.u32 s1;
	s16 =	smov.u32 s2;
	[sflag:s5] =	ssyncpa.u1 $0x0  }
0x11: {  	s15 =	smov.u32 s3;
	[sflag:s31] =	ssyncpa.u1 $0x0;
	s8 =	sshll.u32 s8, $0x3  }
0x12: {  	s6 =	sadd.s32 $0xAC00, s7;
	s7 =	sadd.s32 $0x20AC00, s7;
	s9 =	sor.u32 $0x1, s8  }
.LBB1_7:
0x13: {  	s24 =	sadd.s32 $0x1, s13  }
0x14: {  	s19 =	sadd.s32 $0x8, s14;
	s25 =	smov.u32 s14;
	p1 =	sgt.s32 s24, $0x7  }
0x15: {  	s25 =	smov.u32 @p1 s19  }
0x16: {  	s26 =	smov.u32 s15;
	s19 =	sadd.s32 $0x100, s15;
	p2 =	sgt.s32 s25, $0x7  }
0x17: {  	s26 =	smov.u32 @p2 s19  }
0x18: {  	s27 =	smov.u32 s16;
	s19 =	sadd.s32 $0x2, s16;
	p3 =	sgt.s32 s26, $0x1FF  }
0x19: {  	p0 =	slt.u32 s18, $0x2;
	s28 =	smov.u32 s17;
	s27 =	smov.u32 @p3 s19  }
0x1a: {  	s20 =	smov.u32 s14;
	s19 =	sadd.s32 $0x2, s17;
	p4 =	sgt.s32 s27, $0x1  }
0x1b: {  	s21 =	smov.u32 s15;
	s22 =	smov.u32 s16;
	s28 =	smov.u32 @p4 s19  }
0x1c: {  	s23 =	smov.u32 s17;
	s24 =	simm.s32 @p1 $0x0;
	p1 =	sgt.s32 s28, $0x1  }
0x1d: {  	s29 =	simm.s32 @!p0 $0x2;
	s28 =	smov.u32 @p1 s1;
	p1 =	sne.s32 s18, s9  }
.Ltmp1:
0x1e: {  	s12 =	sadd.s32 $0x4000, s12;
	_ =	swait.ge @!p0 [sflag:s29], $0x4000;
	(pc) =	sbr.rel @!p1 .LBB1_8-.Ltmp1, $4  }
0x1f: {  	[sflag:s29] =	ssyncset.done @!p0 $0x0;
	s25 =	simm.s32 @p2 $0x0;
	s26 =	smov.u32 @p3 s3  }
0x20: {  	[sflag:s29] =	ssyncadd.s32 @!p0 $0xFFFFC000;
	s14 =	smov.u32 s25;
	s15 =	smov.u32 s26  }
0x21: {  	s27 =	smov.u32 @p4 s2;
	s19 =	smov.u32 s13;
	s13 =	smov.u32 s24  }
0x22: {  	s16 =	smov.u32 s27;
	s18 =	sadd.s32 $0x1, s18;
	s17 =	smov.u32 s28  }
.LBB1_1:
0x23: {  	p0 =	sge.u32 s18, s8  }
0x24: {  	s31 =	sadd.s32 $0xFFFFFFFF, s18;
	s24 =	sshll.u32 @!p0 s17, $0x14  }
0x25: {  	s25 =	sxor.u32 @!p0 $0xFFFFFFFF, s18;
	s26 =	sshll.u32 @!p0 s16, $0x13;
	s24 =	sadd.s32 @!p0 s6, s24  }
0x26: {  	s27 =	sshll.u32 @!p0 s15, $0xA;
	s28 =	sshll.u32 @!p0 s13, $0x4;
	s24 =	sadd.s32 @!p0 s26, s24  }
0x27: {  	s25 =	sshll.u32 @!p0 s25, $0xE;
	s26 =	sshll.u32 @!p0 s14, $0x7;
	s24 =	sadd.s32 @!p0 s27, s24  }
0x28: {  	s25 =	sand.u32 @!p0 $0x4000, s25;
	s27 =	sand.u32 @!p0 $0x70, s28;
	s24 =	sadd.s32 @!p0 s26, s24  }
0x29: {  	s26 =	simm.s32 @!p0 $0x40;
	s24 =	sadd.s32 @!p0 s27, s24;
	s27 =	simm.s32 @!p0 $0x400  }
0x2a: {  	[tilespmem:s25], [sflag:$0x1] =	stream.strided.gather @!p0 [hbm4b:s24+s26], $0x4000, s27, s26, $0x38;
	[tilespmem:$0x10000] =	vst v63  }
0x2b: {  	p0 =	sge.u32 s31, s8  }
.Ltmp2:
0x2c: {  	_ = 	snop;
	(pc) =	sbr.rel @p0 .LBB1_7-.Ltmp2, $1  }
0x2d: {  	_ =	sdelay $0x3  }
0x2e: {  	s24 =	sand.u32 $0x4000, s12  }
0x2f: {  	_ =	swait.ge [sflag:s5], $0x4000;
	s27 =	sshll.u32 s18, $0xE;
	s25 =	sor.u32 $0x20, s24  }
0x30: {  	s26 =	sor.u32 $0x8030, s24;
	[sflag:s5] =	ssyncset.done $0x0;
	s31 =	sand.u32 $0x4000, s27  }
0x31: {  	s27 =	simm.s32 $0x0;
	[sflag:s5] =	ssyncadd.s32 $0xFFFFC000;
	s24 =	sor.u32 $0x8000, s31  }
.LBB1_3:
0x32: {  	v1 =	vmov s25;
	_ =	sdelay $0x3  }
0x33: {  	s28 =	simm.s32 $0x0  }
0x34: {  	v3 =	vld.idx.msk [tilespmem:v1+s28+$0x10 ss:$0x1], $0xffff  }
0x35: {  	v0 =	vmov s26;
	v4 =	vld.idx.msk [tilespmem:v1+s28+$0xFFFFFFE0 ss:$0x1], $0xffff  }
0x36: {  	v2 =	vld.idx.msk [tilespmem:v1+s28+$0xFFFFFFF0 ss:$0x1], $0xffff  }
0x37: {  	s29 =	simm.s32 $0x100;
	v5 =	vld.idx.msk [tilespmem:v1+s28+$0x0 ss:$0x1], $0xffff  }
.LBB1_4:
0x38: {  	p0 =	sne.s32 s29, $0x700  }
.Ltmp3:
0x39: {  	s30 =	sshra.s32 s29, $0x2;
	s29 =	sadd.s32 $0x100, s29;
	(pc) =	sbr.rel @p0 .LBB1_4-.Ltmp3, $4  }
0x3a: {  	[tilespmem:v0+s28+$0x0 ss:$0x1] =	vst.idx.msk $0xffff, v3;
	v3 =	vld.idx.msk [tilespmem:v1+s30+$0x10 ss:$0x1], $0xffff  }
0x3b: {  	[tilespmem:v0+s28+$0xFFFFFFD0 ss:$0x1] =	vst.idx.msk $0xffff, v4;
	v4 =	vld.idx.msk [tilespmem:v1+s30+$0xFFFFFFE0 ss:$0x1], $0xffff  }
0x3c: {  	[tilespmem:v0+s28+$0xFFFFFFE0 ss:$0x1] =	vst.idx.msk $0xffff, v2;
	v2 =	vld.idx.msk [tilespmem:v1+s30+$0xFFFFFFF0 ss:$0x1], $0xffff  }
0x3d: {  	[tilespmem:v0+s28+$0xFFFFFFF0 ss:$0x1] =	vst.idx.msk $0xffff, v5;
	v5 =	vld.idx.msk [tilespmem:v1+s30+$0x0 ss:$0x1], $0xffff;
	s28 =	smov.u32 s30  }
0x3e: {  	_ = 	snop  }
0x3f: {  	s27 =	sadd.s32 $0x1, s27  }
0x40: {  	p0 =	sne.s32 s27, $0x20  }
.Ltmp4:
0x41: {  	_ = 	snop;
	(pc) =	sbr.rel @p0 .LBB1_3-.Ltmp4, $4  }
0x42: {  	[tilespmem:v0+s28+$0x0 ss:$0x1] =	vst.idx.msk $0xffff, v3  }
0x43: {  	[tilespmem:v0+s28+$0xFFFFFFD0 ss:$0x1] =	vst.idx.msk $0xffff, v4  }
0x44: {  	[tilespmem:v0+s28+$0xFFFFFFE0 ss:$0x1] =	vst.idx.msk $0xffff, v2  }
0x45: {  	s25 =	sadd.s32 $0x200, s25;
	s26 =	sadd.s32 $0x200, s26;
	[tilespmem:v0+s28+$0xFFFFFFF0 ss:$0x1] =	vst.idx.msk $0xffff, v5  }
0x46: {  	s23 =	sshll.u32 s23, $0x8  }
0x47: {  	s21 =	sshll.u32 s21, $0xC;
	s22 =	sshll.u32 s22, $0x4;
	s23 =	sadd.s32 s7, s23  }
.Ltmp5:
0x48: {  	s22 =	sand.u32 $0x10, s22;
	s21 =	sadd.s32 s21, s23;
	(pc) =	sbr.rel .LBB1_7-.Ltmp5, $4  }
0x49: {  	s20 =	sshll.u32 s20, $0x9;
	s21 =	sadd.s32 s22, s21  }
0x4a: {  	s19 =	sshll.u32 s19, $0x5;
	s20 =	sadd.s32 s20, s21  }
0x4b: {  	s19 =	sadd.s32 s19, s20  }
0x4c: {  	[hbm4b:s19+s10] =	stream.strided.scatter [tilespmem:s24], [sflag:$0x2], $0x4000, s11, s10, $0x38;
	[tilespmem:$0x10000] =	vst v63  }
.LBB1_8:
0x4d: {  	_ =	sfence.sel $0x180000  }
0x4e: {  	s1 =	simm.s32 $0x1;
	[bflag:$0x0] =	sbarrier.arrive $0xFFFF  }
0x4f: {  	s31 =	simm.s32 $0x2;
	[sflag:s1] =	ssyncpa.u1 $0x1  }
0x50: {  	[sflag:s31] =	ssyncpa.u1 $0x1  }
0x51: {  	p0 =	sne.s32 s0, $0x0;
	_ =	strace $0x9000004D  }
0x52: {  	s0 =	sadd.s32 @!p0 $0x100000, s4;
	[bflag:$0x2] =	sbarrier.arrive $0xFFFF  }
0x53: {  	[sflag:s0] =	ssyncadd.tile.s32 @!p0 $0x1;
	_ =	shalt  }
.Lfunc_end1:
_tile_overlayer_lowered:
.L_overlay_start_2:
0x54: {  	(tag) =	ssettag $0x2  }
0x55: {  	s0 =	rddreg [dreg:$0x0];
	s2 =	stileid.u32  }
0x56: {  	s1 =	rddreg [dreg:$0x1];
	p0 =	sne.s32 s2, $0x0  }
0x57: {  	s3 =	rddreg [dreg:$0x2];
	[bflag:$0x3] =	sbarrier.arrive $0xFFFF;
	s2 =	simm.s32 @!p0 $0x1C01  }
0x58: {  	[timem:s3], [sflag:s2] =	dma.local @!p0 [hbm:s0], s1  }
0x59: {  	s0 =	simm.s32 @!p0 $0x1  }
0x5a: {  	_ =	swait.ge @!p0 [sflag:s0], s1  }
0x5b: {  	s1 =	ssub.s32 @!p0 $0x0, s1;
	[sflag:s0] =	ssyncset.done @!p0 $0x0  }
0x5c: {  	[sflag:s0] =	ssyncadd.s32 @!p0 s1  }
0x5d: {  	[bflag:$0x3] =	sbarrier.arrive $0xFFFF  }
0x5e: {  	_ =	shalt  }

// kernel: sparse-core-data-format-call.2.cloned.1.call-start
scs
called_computation.2_lowered:
.L_overlay_start_0:
0x0: {  	s1 =	sld [smem:$0x3FD9]  }
0x1: {  	s2 =	sld [smem:$0x3FFE];
	_ =	sdelay $0x1  }
0x2: {  	s3 =	srdreg.scid  }
0x3: {  	s0 =	sand.u32 $0x1, s3  }
0x4: {  	s17 =	sshll.u32 s0, $0xA;
	s1 =	sadd.s32 s2, s1  }
0x5: {  	s1 =	sadd.s32 s1, s17  }
0x6: {  	[smem:$0x3FBA] =	sst s1  }
0x7: {  	_ = 	snop  }
0x8: {  	(tm) =	ssettm $0x1  }
0x9: {  	s18 =	sld [smem:$0x3FFB];
	_ =	sdelay $0x3  }
0xa: {  	_ =	strace s18  }
0xb: {  	s1 =	sld [smem:$0x3FFC];
	_ =	sdelay $0x3  }
0xc: {  	_ =	strace s1  }
0xd: {  	s1 =	sld [smem:$0x3FFD];
	_ =	sdelay $0x3  }
0xe: {  	_ =	strace s1  }
0xf: {  	_ =	strace $0x8FFFFFFF  }
0x10: {  	s19 =	sld [smem:$0x3FDB];
	_ =	sdelay $0x1  }
0x11: {  	s20 =	simm.s32 $_scs_section_size  }
0x12: {  	s4 =	simm.s32 $_size__tile_overlayer_lowered;
	s5 =	simm.s32 $_tile_overlayer_lowered  }
0x13: {  	s23 =	simm.s32 $0x1BFF;
	s22 =	sshll.u32 s5, $0x1;
	s1 =	sadd.s32 s20, s19  }
0x14: {  	s6 =	simm.s32 $0x0;
	s21 =	sshll.u32 s4, $0x1;
	s4 =	sadd.s32 s22, s1  }
0x15: {  	[timem:s6], [sflag:s23] =	dma.local [hbm:s4], s21  }
0x16: {  	_ =	swait.ge [sflag:s23], s21  }
0x17: {  	s2 =	ssub.s32 $0x0, s21;
	[sflag:s23] =	ssyncset.done $0x0  }
0x18: {  	[sflag:s23] =	ssyncadd.s32 s2;
	_ =	sdelay $0x1  }
0x19: {  	s24 =	simm.s32 $0x1B8B  }
0x1a: {  	_ =	swait.ge [sflag:s24], $0x1  }
0x1b: {  	[sflag:s24] =	ssyncset.done $0x0  }
0x1c: {  	s26 =	simm.s32 $0x1B8E;
	s25 =	sld [smem:$0x3FFE];
	[sflag:s24] =	ssyncadd.s32 $0xFFFFFFFF  }
0x1d: {  	s27 =	simm.s32 $execute0_lowered;
	[smem:$0x3FD2] =	sst s26  }
0x1e: {  	s4 =	sshll.u32 s27, $0x1;
	_ =	strace $0x80000049;
	[dreg:$0x1] =	wrdreg $0xFFFFFFFF  }
0x1f: {  	s28 =	simm.s32 $_size_execute0_lowered;
	s1 =	sadd.s32 s1, s4;
	[dreg:$0x0] =	wrdreg $0x0  }
0x20: {  	s4 =	sshll.u32 s28, $0x1;
	[dreg:$0x2] =	wrdreg s1  }
0x21: {  	[dreg:$0x3] =	wrdreg s4  }
0x22: {  	[dreg:$0x4] =	wrdreg $0xC0  }
0x23: {  	_ =	task [dreg:s6], $0x5FFFF  }
0x24: {  	[dreg:$0x1] =	wrdreg $0xFFFFFFFF  }
0x25: {  	[dreg:$0x0] =	wrdreg $0x60  }
0x26: {  	[dreg:$0x2] =	wrdreg s25  }
0x27: {  	[dreg:$0x3] =	wrdreg $0x9  }
0x28: {  	_ =	task.clear_ibuf [dreg:s6], $0x4FFFF;
	_ =	strace $0x90000049  }
0x29: {  	s29 =	simm.s32 $0x9;
	_ =	strace $0x8000004B  }
0x2a: {  	_ =	swait.ge [sflag:s29], $0x1  }
0x2b: {  	[sflag:s29] =	ssyncadd.s32 $0xFFFFFFFF  }
0x2c: {  	_ =	strace $0x9000004B  }
0x2d: {  	_ =	sfence  }
0x2e: {  	s30 =	sld [smem:$0x0];
	_ =	sdelay $0x2  }
0x2f: {  	s31 =	sshll.u32 s3, $0xD;
	s3 =	sshrl.u32 s3, $0x2  }
0x30: {  	s2 =	sand.u32 $0x4000, s31;
	s1 =	sadd.s32 s3, s30  }
0x31: {  	s0 =	sor.u32 s2, s0;
	s1 =	sshll.u32 s1, $0x11  }
0x32: {  	s0 =	sor.u32 s1, s0  }
0x33: {  	s0 =	sadd.s32 $0x8F2B, s0  }
0x34: {  	[sflag:s0] =	ssyncadd.remote.s32 $0x1  }
0x35: {  	_ =	sfence.sel $0xFFFF  }
0x36: {  	[dreg:$0x0] =	wrdreg $0xFFFFFFFF;
	(pc) =	sbr.abs _section_cstart, $3  }
0x37: {  	[dreg:$0x1] =	wrdreg $0xFFFFFFFF  }
0x38: {  	_ =	task.clear_ibuf [dreg:s6], $0x2FFFF;
	_ =	strace $0x9FFFFFFF  }
0x39: {  	(tm) =	ssettm $0x7FFFFFFF  }
tec
execute0_lowered:
.L_overlay_start_1:
0x0: {  	(tag) =	ssettag $0x1  }
0x1: {  	s0 =	rddreg [dreg:$0x0]  }
0x2: {  	_ =	strace $0x8000004A;
	s1 =	srdreg.scid;
	s31 =	stileid.u32  }
0x3: {  	s5 =	simm.s32 $0x1;
	s22 =	simm.s32 $0x2;
	p0 =	por $0x0, $0x0  }
0x4: {  	s15 =	simm.s32 $0x800;
	s29 =	simm.s32 $0x0;
	s28 =	simm.s32 $0x0  }
0x5: {  	s17 =	simm.s32 $0x0;
	s18 =	simm.s32 $0x0;
	s19 =	simm.s32 $0x0  }
0x6: {  	s20 =	simm.s32 $0x0;
	s16 =	simm.s32 $0x0;
	s2 =	sadd.s32 $0x3BB200, s0  }
0x7: {  	s3 =	sadd.s32 $0xBBB200, s0;
	s4 =	sand.u32 $0x1, s1;
	[sflag:s5] =	ssyncpa.u1 $0x0  }
0x8: {  	s23 =	sadd.s32 $0xBDB200, s0;
	s24 =	sadd.s32 $0xBFB200, s0;
	[dreg:$0x2] =	wrdreg s3  }
0x9: {  	s25 =	sadd.s32 $0xC1B200, s0;
	s26 =	sadd.s32 $0xC3B200, s0;
	[dreg:$0x3] =	wrdreg s23  }
0xa: {  	s11 =	sadd.s32 $0xC5B200, s0;
	s12 =	sadd.s32 $0xC7B200, s0;
	[dreg:$0x4] =	wrdreg s24  }
0xb: {  	s13 =	sadd.s32 $0xC9B200, s0;
	s1 =	ssub.s32 $0x10, s4;
	[dreg:$0x5] =	wrdreg s25  }
.Ltmp0:
0xc: {  	[sflag:s22] =	ssyncpa.u1 $0x0;
	[dreg:$0x6] =	wrdreg s26;
	(pc) =	sbr.rel .LBB1_1-.Ltmp0, $4  }
0xd: {  	s23 =	simm.s32 $0x0;
	s25 =	simm.s32 $0x0;
	s6 =	sshrl.u32 s1, $0x1  }
0xe: {  	s26 =	simm.s32 $0x0;
	s24 =	simm.s32 $0x0;
	s27 =	sadd.s32 s4, s6  }
0xf: {  	s21 =	smov.u32 s4;
	s1 =	ssub.s32 s1, s6;
	s30 =	sshll.u32 s27, $0x4  }
0x10: {  	s22 =	stileid.u32;
	s7 =	sshll.u32 s1, $0x4;
	s14 =	ssub.s32 $0x102, s30  }
.LBB1_7:
0x11: {  	s0 =	sadd.s32 $0x80, s17  }
0x12: {  	s1 =	sadd.s32 $0x8, s18;
	s3 =	smov.u32 s18;
	p2 =	sgt.s32 s0, $0x1FF  }
0x13: {  	s3 =	smov.u32 @p2 s1  }
0x14: {  	s1 =	simm.s32 $0x1;
	p3 =	sgt.s32 s3, $0x7  }
0x15: {  	s1 =	simm.s32 @!p3 $0x0  }
0x16: {  	s6 =	sadd.s32 $0x10, s20;
	s1 =	sadd.s32 s1, s19  }
0x17: {  	s8 =	smov.u32 s20;
	s9 =	smov.u32 s21;
	p4 =	sgt.s32 s1, $0x3  }
0x18: {  	p1 =	slt.u32 s16, $0x2;
	s10 =	smov.u32 s22;
	s8 =	smov.u32 @p4 s6  }
0x19: {  	s16 =	sadd.s32 $0x1, s16;
	s6 =	sadd.s32 $0x2, s21;
	p5 =	sgt.s32 s8, $0xF  }
0x1a: {  	s23 =	smov.u32 s17;
	s25 =	smov.u32 s18;
	s9 =	smov.u32 @p5 s6  }
0x1b: {  	s0 =	simm.s32 @p2 $0x0;
	s6 =	sadd.s32 $0x10, s22;
	p2 =	sgt.s32 s9, $0xF  }
0x1c: {  	s26 =	smov.u32 s19;
	s24 =	smov.u32 s20;
	s10 =	smov.u32 @p2 s6  }
0x1d: {  	s29 =	smov.u32 s21;
	s9 =	smov.u32 @p2 s4;
	p2 =	sgt.s32 s10, $0xF  }
0x1e: {  	s28 =	smov.u32 s22;
	s10 =	smov.u32 @p2 s31;
	p2 =	sne.s32 s16, s14  }
.Ltmp1:
0x1f: {  	p0 =	por !p0, !p0;
	s3 =	simm.s32 @p3 $0x0;
	(pc) =	sbr.rel @!p2 .LBB1_8-.Ltmp1, $4  }
0x20: {  	s17 =	smov.u32 s0;
	s18 =	smov.u32 s3;
	s6 =	simm.s32 @!p1 $0x2  }
0x21: {  	s1 =	simm.s32 @p4 $0x0;
	s8 =	simm.s32 @p5 $0x0;
	_ =	swait.ge @!p1 [sflag:s6], $0x4000  }
0x22: {  	s19 =	smov.u32 s1;
	s20 =	smov.u32 s8;
	[sflag:s6] =	ssyncset.done @!p1 $0x0  }
0x23: {  	s21 =	smov.u32 s9;
	[sflag:s6] =	ssyncadd.s32 @!p1 $0xFFFFC000;
	s22 =	smov.u32 s10  }
.LBB1_1:
0x24: {  	p1 =	sge.u32 s16, s7  }
0x25: {  	s0 =	sxor.u32 @!p1 $0xFFFFFFFF, s16  }
0x26: {  	s1 =	sshll.u32 @!p1 s17, $0x3;
	s3 =	sand.u32 @!p1 $0x78, s17;
	s6 =	sshll.u32 @!p1 s18, $0x7  }
0x27: {  	s8 =	sshll.u32 @!p1 s22, $0x13;
	s9 =	sshll.u32 @!p1 s21, $0xF;
	s27 =	sshll.u32 @!p1 s20, $0xB  }
0x28: {  	s30 =	sshll.u32 @!p1 s19, $0x9;
	s0 =	sshll.u32 @!p1 s0, $0xE;
	s6 =	sand.u32 @!p1 $0x380, s6  }
0x29: {  	s1 =	sand.u32 @!p1 $0xC00, s1;
	s8 =	sadd.s32 @!p1 s2, s8;
	s3 =	sor.u32 @!p1 s3, s6  }
0x2a: {  	s0 =	sand.u32 @!p1 $0x4000, s0;
	s6 =	sadd.s32 @!p1 s9, s8;
	s1 =	sor.u32 @!p1 s1, s3  }
0x2b: {  	s3 =	sadd.s32 @!p1 s27, s6;
	s6 =	sand.u32 @!p1 $0x7, s17;
	s1 =	sshrl.u32 @!p1 s1, $0x3  }
0x2c: {  	s3 =	sadd.s32 @!p1 s30, s3;
	s6 =	sshll.u32 @!p1 s6, $0x12;
	s30 =	sadd.s32 $0xFFFFFFFF, s16  }
0x2d: {  	s1 =	sadd.s32 @!p1 s1, s3;
	s3 =	sor.u32 @!p1 $0x400, s6;
	s6 =	simm.s32 @!p1 $0x4000  }
0x2e: {  	[tilespmem:s0], [sflag:$0x1] =	stream.strided.gather @!p1 [hbm4b:s1+s3], $0x4000, s6, s3, $0x38;
	[tilespmem:$0x10800] =	vst v63  }
0x2f: {  	p1 =	sge.u32 s30, s7  }
.Ltmp2:
0x30: {  	_ = 	snop;
	(pc) =	sbr.rel @p1 .LBB1_7-.Ltmp2, $1  }
0x31: {  	_ =	sdelay $0x3  }
0x32: {  	s0 =	simm.s32 $0x1;
	s3 =	sand.u32 $0x1, s16  }
0x33: {  	_ =	swait.ge [sflag:s5], $0x4000;
	s0 =	simm.s32 @!p0 $0x0;
	s3 =	smul.u32 $0x11000, s3  }
0x34: {  	[sflag:s5] =	ssyncset.done $0x0;
	s1 =	smul.u32 $0x11000, s0  }
0x35: {  	s0 =	sshll.u32 s0, $0xE;
	[sflag:s5] =	ssyncadd.s32 $0xFFFFC000  }
0x36: {  	s0 =	sor.u32 $0x40, s0;
	s27 =	sshrl.u32 s3, $0x2;
	s1 =	sshrl.u32 s1, $0x2  }
0x37: {  	s30 =	sor.u32 $0x8000, s27;
	s31 =	sor.u32 $0x8000, s1;
	s1 =	simm.s32 $0x0  }
.LBB1_3:
0x38: {  	v0 =	vld [tilespmem:s0+$0x30]  }
0x39: {  	v1 =	vld [tilespmem:s0+$0xFFFFFFD0]  }
0x3a: {  	v5 =	vld [tilespmem:s0+$0xFFFFFFE0]  }
0x3b: {  	v6 =	vld [tilespmem:s0+$0xFFFFFFF0]  }
0x3c: {  	s3 =	sadd.s32 $0x0, s31;
	v2 =	vld [tilespmem:s0+$0x0]  }
0x3d: {  	v3 =	vld [tilespmem:s0+$0x10];
	[tilespmem:s3+$0x770 ss:$0x11] =	vst.msk $0xffff, v0  }
0x3e: {  	v4 =	vld [tilespmem:s0+$0x20];
	[tilespmem:s3+$0x110 ss:$0x11] =	vst.msk $0xffff, v1  }
0x3f: {  	s6 =	sadd.s32 $0x80, s0;
	v0 =	vld [tilespmem:s0+$0xFFFFFFC0];
	[tilespmem:s3+$0x220 ss:$0x11] =	vst.msk $0xffff, v5  }
0x40: {  	s8 =	simm.s32 $0x2200;
	s9 =	simm.s32 $0x4400;
	v1 =	vld [tilespmem:s6+$0x30];
	[tilespmem:s3+$0x330 ss:$0x11] =	vst.msk $0xffff, v6  }
.LBB1_4:
0x41: {  	p1 =	sne.s32 s9, $0xEE00;
	v5 =	vld [tilespmem:s6+$0xFFFFFFD0];
	[tilespmem:s3+$0x440 ss:$0x11] =	vst.msk $0xffff, v2  }
0x42: {  	v6 =	vld [tilespmem:s6+$0xFFFFFFE0];
	[tilespmem:s3+$0x550 ss:$0x11] =	vst.msk $0xffff, v3  }
0x43: {  	s10 =	sshra.s32 s8, $0x2;
	s8 =	smov.u32 s9;
	v7 =	vld [tilespmem:s6+$0xFFFFFFF0];
	[tilespmem:s3+$0x660 ss:$0x11] =	vst.msk $0xffff, v4  }
.Ltmp3:
0x44: {  	v2 =	vld [tilespmem:s6+$0x0];
	[tilespmem:s3+$0x0 ss:$0x11] =	vst.msk $0xffff, v0;
	s3 =	sadd.s32 s10, s31;
	(pc) =	sbr.rel @p1 .LBB1_4-.Ltmp3, $4  }
0x45: {  	v3 =	vld [tilespmem:s6+$0x10];
	[tilespmem:s3+$0x770 ss:$0x11] =	vst.msk $0xffff, v1  }
0x46: {  	[tilespmem:s3+$0x110 ss:$0x11] =	vst.msk $0xffff, v5;
	v4 =	vld [tilespmem:s6+$0x20]  }
0x47: {  	v0 =	vld [tilespmem:s6+$0xFFFFFFC0];
	[tilespmem:s3+$0x220 ss:$0x11] =	vst.msk $0xffff, v6;
	s6 =	sadd.s32 $0x80, s6  }
0x48: {  	s9 =	sadd.s32 $0x2200, s9;
	v1 =	vld [tilespmem:s6+$0x30];
	[tilespmem:s3+$0x330 ss:$0x11] =	vst.msk $0xffff, v7  }
0x49: {  	v5 =	vld [tilespmem:s6+$0xFFFFFFD0];
	[tilespmem:s3+$0x440 ss:$0x11] =	vst.msk $0xffff, v2  }
0x4a: {  	v58 =	vld [tilespmem:s6+$0xFFFFFFE0];
	[tilespmem:s3+$0x550 ss:$0x11] =	vst.msk $0xffff, v3  }
0x4b: {  	s8 =	sshra.s32 s8, $0x2;
	v59 =	vld [tilespmem:s6+$0xFFFFFFF0];
	[tilespmem:s3+$0x660 ss:$0x11] =	vst.msk $0xffff, v4  }
0x4c: {  	v60 =	vld [tilespmem:s6+$0x0];
	s8 =	sadd.s32 s8, s31;
	[tilespmem:s3+$0x0 ss:$0x11] =	vst.msk $0xffff, v0  }
0x4d: {  	v61 =	vld [tilespmem:s6+$0x10];
	[tilespmem:s8+$0x770 ss:$0x11] =	vst.msk $0xffff, v1  }
0x4e: {  	v62 =	vld [tilespmem:s6+$0x20];
	s1 =	sadd.s32 $0x1, s1;
	[tilespmem:s8+$0x110 ss:$0x11] =	vst.msk $0xffff, v5  }
0x4f: {  	v63 =	vld [tilespmem:s6+$0xFFFFFFC0];
	p1 =	sne.s32 s1, $0x10;
	[tilespmem:s8+$0x220 ss:$0x11] =	vst.msk $0xffff, v58  }
.Ltmp4:
0x50: {  	[tilespmem:s8+$0x330 ss:$0x11] =	vst.msk $0xffff, v59;
	(pc) =	sbr.rel @p1 .LBB1_3-.Ltmp4, $4  }
0x51: {  	[tilespmem:s8+$0x440 ss:$0x11] =	vst.msk $0xffff, v60  }
0x52: {  	[tilespmem:s8+$0x550 ss:$0x11] =	vst.msk $0xffff, v61  }
0x53: {  	[tilespmem:s8+$0x660 ss:$0x11] =	vst.msk $0xffff, v62  }
0x54: {  	s0 =	sadd.s32 $0x400, s0;
	s31 =	sadd.s32 $0x1, s31;
	[tilespmem:s8+$0x0 ss:$0x11] =	vst.msk $0xffff, v63  }
0x55: {  	s0 =	sshll.u32 s29, $0x7;
	s1 =	sshll.u32 s24, $0x3  }
0x56: {  	s9 =	sshll.u32 s26, $0x18;
	s6 =	sshll.u32 s28, $0x14;
	s10 =	sshrl.u32 s24, $0x3  }
0x57: {  	s3 =	sand.u32 $0x400, s0;
	s1 =	sand.u32 $0x400, s1;
	s0 =	sand.u32 $0x380, s0  }
0x58: {  	s1 =	sadd.s32 s3, s1;
	s3 =	sadd.s32 s6, s9;
	s6 =	sshll.u32 s25, $0x11  }
0x59: {  	s9 =	rddreg [dreg:$0x2];
	s0 =	sor.u32 s0, s1;
	s8 =	sadd.s32 s6, s3  }
0x5a: {  	s1 =	sand.u32 $0xF, s10;
	s10 =	sand.u32 $0x7, s24;
	s8 =	sadd.s32 s9, s8  }
0x5b: {  	s0 =	sshrl.u32 s0, $0x3;
	s9 =	sshll.u32 s23, $0x8;
	s8 =	sadd.s32 s1, s8  }
0x5c: {  	s10 =	sshll.u32 s10, $0x12;
	s0 =	sand.u32 $0xF0, s0;
	s8 =	sadd.s32 s9, s8  }
0x5d: {  	s24 =	rddreg [dreg:$0x3];
	s10 =	sor.u32 $0x10, s10;
	s8 =	sadd.s32 s0, s8  }
0x5e: {  	[hbm4b:s8+s10] =	stream.strided.scatter [tilespmem:s30], [sflag:$0x2], $0x800, s15, s10, $0x8;
	[tilespmem:$0x10800] =	vst v63  }
0x5f: {  	s8 =	sadd.s32 s1, s24  }
0x60: {  	s8 =	sadd.s32 s6, s8  }
0x61: {  	s8 =	sadd.s32 s3, s8  }
0x62: {  	s8 =	sadd.s32 s9, s8  }
0x63: {  	s26 =	rddreg [dreg:$0x4];
	s25 =	sadd.s32 $0x8880, s27;
	s8 =	sadd.s32 s0, s8  }
0x64: {  	[hbm4b:s8+s10] =	stream.strided.scatter [tilespmem:s25], [sflag:$0x2], $0x800, s15, s10, $0x8;
	[tilespmem:$0x10800] =	vst v63  }
0x65: {  	s8 =	sadd.s32 s1, s26  }
0x66: {  	s8 =	sadd.s32 s6, s8  }
0x67: {  	s8 =	sadd.s32 s3, s8  }
0x68: {  	s8 =	sadd.s32 s9, s8  }
0x69: {  	s28 =	sadd.s32 $0x9100, s27;
	s29 =	rddreg [dreg:$0x5];
	s8 =	sadd.s32 s0, s8  }
0x6a: {  	[hbm4b:s8+s10] =	stream.strided.scatter [tilespmem:s28], [sflag:$0x2], $0x800, s15, s10, $0x8;
	[tilespmem:$0x10800] =	vst v63  }
0x6b: {  	s8 =	sadd.s32 s1, s29  }
0x6c: {  	s8 =	sadd.s32 s6, s8  }
0x6d: {  	s8 =	sadd.s32 s3, s8  }
0x6e: {  	s8 =	sadd.s32 s9, s8  }
0x6f: {  	s23 =	rddreg [dreg:$0x6];
	s30 =	sadd.s32 $0x9980, s27;
	s8 =	sadd.s32 s0, s8  }
0x70: {  	[hbm4b:s8+s10] =	stream.strided.scatter [tilespmem:s30], [sflag:$0x2], $0x800, s15, s10, $0x8;
	[tilespmem:$0x10800] =	vst v63  }
0x71: {  	s8 =	sadd.s32 s1, s23  }
0x72: {  	s8 =	sadd.s32 s6, s8  }
0x73: {  	s8 =	sadd.s32 s3, s8  }
0x74: {  	s8 =	sadd.s32 s9, s8  }
0x75: {  	s24 =	sadd.s32 $0xA200, s27;
	s25 =	sadd.s32 s1, s11;
	s8 =	sadd.s32 s0, s8  }
0x76: {  	[hbm4b:s8+s10] =	stream.strided.scatter [tilespmem:s24], [sflag:$0x2], $0x800, s15, s10, $0x8;
	[tilespmem:$0x10800] =	vst v63  }
0x77: {  	s8 =	sadd.s32 s6, s25  }
0x78: {  	s8 =	sadd.s32 s3, s8  }
0x79: {  	s8 =	sadd.s32 s9, s8  }
0x7a: {  	s26 =	sadd.s32 $0xAA80, s27;
	s28 =	sadd.s32 s1, s12;
	s8 =	sadd.s32 s0, s8  }
0x7b: {  	[hbm4b:s8+s10] =	stream.strided.scatter [tilespmem:s26], [sflag:$0x2], $0x800, s15, s10, $0x8;
	[tilespmem:$0x10800] =	vst v63  }
0x7c: {  	s1 =	sadd.s32 s1, s13;
	s8 =	sadd.s32 s6, s28  }
0x7d: {  	s1 =	sadd.s32 s6, s1;
	s8 =	sadd.s32 s3, s8  }
.Ltmp5:
0x7e: {  	s1 =	sadd.s32 s3, s1;
	s8 =	sadd.s32 s9, s8;
	(pc) =	sbr.rel .LBB1_7-.Ltmp5, $4  }
0x7f: {  	s29 =	sadd.s32 $0xB300, s27;
	s1 =	sadd.s32 s9, s1;
	s8 =	sadd.s32 s0, s8  }
0x80: {  	[hbm4b:s8+s10] =	stream.strided.scatter [tilespmem:s29], [sflag:$0x2], $0x800, s15, s10, $0x8;
	[tilespmem:$0x10800] =	vst v63  }
0x81: {  	s31 =	stileid.u32;
	s30 =	sadd.s32 $0xBB80, s27;
	s0 =	sadd.s32 s0, s1  }
0x82: {  	[hbm4b:s0+s10] =	stream.strided.scatter [tilespmem:s30], [sflag:$0x2], $0x800, s15, s10, $0x8;
	[tilespmem:$0x10800] =	vst v63  }
.LBB1_8:
0x83: {  	_ =	sfence.sel $0x180000  }
0x84: {  	s0 =	simm.s32 $0x1;
	[bflag:$0x0] =	sbarrier.arrive $0xFFFF  }
0x85: {  	s30 =	simm.s32 $0x2;
	[sflag:s0] =	ssyncpa.u1 $0x1  }
0x86: {  	[sflag:s30] =	ssyncpa.u1 $0x1  }
0x87: {  	_ =	strace $0x9000004A  }
0x88: {  	[bflag:$0x2] =	sbarrier.arrive $0xFFFF  }
0x89: {  	p0 =	sne.s32 s31, $0x0;
	s0 =	rddreg [dreg:$0x1]  }
0x8a: {  	s0 =	sadd.s32 @!p0 $0x100000, s0  }
0x8b: {  	[sflag:s0] =	ssyncadd.tile.s32 @!p0 $0x1;
	_ =	shalt  }
.Lfunc_end1:
_tile_overlayer_lowered:
.L_overlay_start_2:
0x8c: {  	(tag) =	ssettag $0x2  }
0x8d: {  	s0 =	rddreg [dreg:$0x0];
	s2 =	stileid.u32  }
0x8e: {  	s1 =	rddreg [dreg:$0x1];
	p0 =	sne.s32 s2, $0x0  }
0x8f: {  	s3 =	rddreg [dreg:$0x2];
	[bflag:$0x3] =	sbarrier.arrive $0xFFFF;
	s2 =	simm.s32 @!p0 $0x1C01  }
0x90: {  	[timem:s3], [sflag:s2] =	dma.local @!p0 [hbm:s0], s1  }
0x91: {  	s0 =	simm.s32 @!p0 $0x1  }
0x92: {  	_ =	swait.ge @!p0 [sflag:s0], s1  }
0x93: {  	s1 =	ssub.s32 @!p0 $0x0, s1;
	[sflag:s0] =	ssyncset.done @!p0 $0x0  }
0x94: {  	[sflag:s0] =	ssyncadd.s32 @!p0 s1  }
0x95: {  	[bflag:$0x3] =	sbarrier.arrive $0xFFFF  }
0x96: {  	_ =	shalt  }

// kernel: sparse-core-data-format-call.3.cloned.1.call-start
scs
called_computation.3_lowered:
.L_overlay_start_0:
0x0: {  	s1 =	sld [smem:$0x3FD9]  }
0x1: {  	s2 =	sld [smem:$0x3FFE];
	_ =	sdelay $0x1  }
0x2: {  	s3 =	srdreg.scid  }
0x3: {  	s0 =	sand.u32 $0x1, s3  }
0x4: {  	s17 =	sshll.u32 s0, $0xA;
	s1 =	sadd.s32 s2, s1  }
0x5: {  	s1 =	sadd.s32 s1, s17  }
0x6: {  	[smem:$0x3FBA] =	sst s1  }
0x7: {  	_ = 	snop  }
0x8: {  	(tm) =	ssettm $0x1  }
0x9: {  	s18 =	sld [smem:$0x3FFB];
	_ =	sdelay $0x3  }
0xa: {  	_ =	strace s18  }
0xb: {  	s1 =	sld [smem:$0x3FFC];
	_ =	sdelay $0x3  }
0xc: {  	_ =	strace s1  }
0xd: {  	s1 =	sld [smem:$0x3FFD];
	_ =	sdelay $0x3  }
0xe: {  	_ =	strace s1  }
0xf: {  	_ =	strace $0x8FFFFFFF  }
0x10: {  	s19 =	sld [smem:$0x3FDB];
	_ =	sdelay $0x1  }
0x11: {  	s20 =	simm.s32 $_scs_section_size  }
0x12: {  	s4 =	simm.s32 $_size__tile_overlayer_lowered;
	s5 =	simm.s32 $_tile_overlayer_lowered  }
0x13: {  	s23 =	simm.s32 $0x1BFF;
	s22 =	sshll.u32 s5, $0x1;
	s1 =	sadd.s32 s20, s19  }
0x14: {  	s6 =	simm.s32 $0x0;
	s21 =	sshll.u32 s4, $0x1;
	s4 =	sadd.s32 s22, s1  }
0x15: {  	[timem:s6], [sflag:s23] =	dma.local [hbm:s4], s21  }
0x16: {  	_ =	swait.ge [sflag:s23], s21  }
0x17: {  	s2 =	ssub.s32 $0x0, s21;
	[sflag:s23] =	ssyncset.done $0x0  }
0x18: {  	[sflag:s23] =	ssyncadd.s32 s2;
	_ =	sdelay $0x1  }
0x19: {  	s24 =	simm.s32 $0x1B8B  }
0x1a: {  	_ =	swait.ge [sflag:s24], $0x1  }
0x1b: {  	[sflag:s24] =	ssyncset.done $0x0  }
0x1c: {  	s26 =	simm.s32 $0x1B8E;
	s25 =	sld [smem:$0x3FFE];
	[sflag:s24] =	ssyncadd.s32 $0xFFFFFFFF  }
0x1d: {  	s27 =	simm.s32 $execute0_lowered;
	[smem:$0x3FD2] =	sst s26  }
0x1e: {  	s4 =	sshll.u32 s27, $0x1;
	_ =	strace $0x80000046;
	[dreg:$0x1] =	wrdreg $0xFFFFFFFF  }
0x1f: {  	s28 =	simm.s32 $_size_execute0_lowered;
	s1 =	sadd.s32 s1, s4;
	[dreg:$0x0] =	wrdreg $0x0  }
0x20: {  	s4 =	sshll.u32 s28, $0x1;
	[dreg:$0x2] =	wrdreg s1  }
0x21: {  	[dreg:$0x3] =	wrdreg s4  }
0x22: {  	[dreg:$0x4] =	wrdreg $0xC0  }
0x23: {  	_ =	task [dreg:s6], $0x5FFFF  }
0x24: {  	[dreg:$0x1] =	wrdreg $0xFFFFFFFF  }
0x25: {  	[dreg:$0x0] =	wrdreg $0x60  }
0x26: {  	[dreg:$0x2] =	wrdreg s25  }
0x27: {  	[dreg:$0x3] =	wrdreg $0x9  }
0x28: {  	_ =	task.clear_ibuf [dreg:s6], $0x4FFFF;
	_ =	strace $0x90000046  }
0x29: {  	s29 =	simm.s32 $0x9;
	_ =	strace $0x80000048  }
0x2a: {  	_ =	swait.ge [sflag:s29], $0x1  }
0x2b: {  	[sflag:s29] =	ssyncadd.s32 $0xFFFFFFFF  }
0x2c: {  	_ =	strace $0x90000048  }
0x2d: {  	_ =	sfence  }
0x2e: {  	s30 =	sld [smem:$0x0];
	_ =	sdelay $0x2  }
0x2f: {  	s31 =	sshll.u32 s3, $0xD;
	s3 =	sshrl.u32 s3, $0x2  }
0x30: {  	s2 =	sand.u32 $0x4000, s31;
	s1 =	sadd.s32 s3, s30  }
0x31: {  	s0 =	sor.u32 s2, s0;
	s1 =	sshll.u32 s1, $0x11  }
0x32: {  	s0 =	sor.u32 s1, s0  }
0x33: {  	s0 =	sadd.s32 $0x8F2B, s0  }
0x34: {  	[sflag:s0] =	ssyncadd.remote.s32 $0x1  }
0x35: {  	_ =	sfence.sel $0xFFFF  }
0x36: {  	[dreg:$0x0] =	wrdreg $0xFFFFFFFF;
	(pc) =	sbr.abs _section_cstart, $3  }
0x37: {  	[dreg:$0x1] =	wrdreg $0xFFFFFFFF  }
0x38: {  	_ =	task.clear_ibuf [dreg:s6], $0x2FFFF;
	_ =	strace $0x9FFFFFFF  }
0x39: {  	(tm) =	ssettm $0x7FFFFFFF  }
tec
execute0_lowered:
.L_overlay_start_1:
0x0: {  	(tag) =	ssettag $0x1  }
0x1: {  	s4 =	rddreg [dreg:$0x0]  }
0x2: {  	s1 =	stileid.u32;
	s0 =	rddreg [dreg:$0x1]  }
0x3: {  	_ =	strace $0x80000047;
	s5 =	srdreg.scid;
	s31 =	simm.s32 $0x2  }
0x4: {  	s14 =	simm.s32 $0x0;
	s9 =	simm.s32 $0x1000;
	s16 =	simm.s32 $0x0  }
0x5: {  	s15 =	simm.s32 $0x0;
	s10 =	simm.s32 $0x0;
	s2 =	sshll.u32 s1, $0x7  }
0x6: {  	s13 =	simm.s32 $0x0;
	s5 =	sshll.u32 s5, $0x4;
	s2 =	sand.u32 $0x180, s2  }
0x7: {  	s3 =	sadd.s32 $0x9D9A00, s4;
	s5 =	sand.u32 $0x10, s5;
	s6 =	ssub.s32 $0x200, s2  }
0x8: {  	s4 =	sadd.s32 $0x9A00, s4;
	s5 =	sor.u32 s1, s5;
	s7 =	sand.u32 $0x180, s6  }
.Ltmp0:
0x9: {  	p0 =	sne.s32 s7, $0x0;
	s7 =	simm.s32 $0x1;
	(pc) =	sbr.rel .LBB1_1-.Ltmp0, $4  }
0xa: {  	s12 =	smov.u32 s2;
	s8 =	sshrl.u32 s6, $0x9;
	s7 =	simm.s32 @!p0 $0x0  }
0xb: {  	s5 =	sshrl.u32 s5, $0x2;
	s6 =	simm.s32 $0x1;
	s7 =	sadd.s32 s7, s8  }
0xc: {  	[sflag:s6] =	ssyncpa.u1 $0x0;
	s11 =	smov.u32 s5;
	s7 =	sshll.u32 s7, $0x7  }
0xd: {  	[sflag:s31] =	ssyncpa.u1 $0x0;
	p0 =	por $0x0, $0x0;
	s8 =	sor.u32 $0x1, s7  }
.LBB1_4:
0xe: {  	s19 =	sand.u32 $0x780, s15  }
0xf: {  	s16 =	sshll.u32 s16, $0x10;
	s20 =	sshrl.u32 s15, $0x3;
	s19 =	sadd.s32 s4, s19  }
0x10: {  	s31 =	sand.u32 $0x7, s15;
	s20 =	sand.u32 $0xF, s20;
	s16 =	sadd.s32 s16, s19  }
0x11: {  	s14 =	sshll.u32 s14, $0xB;
	s15 =	sshll.u32 s31, $0x12;
	s16 =	sadd.s32 s20, s16  }
0x12: {  	[tilespmem:s18+$0x0 ss:$0x81] =	vst.msk $0xffff, v0;
	s15 =	sor.u32 $0x400, s15;
	s14 =	sadd.s32 s14, s16  }
0x13: {  	[hbm4b:s14+s15] =	stream.strided.scatter [tilespmem:s17], [sflag:$0x2], $0x1000, s9, s15, $0x20;
	[tilespmem:$0x4040] =	vst v63  }
.LBB1_5:
0x14: {  	s17 =	sadd.s32 $0x1, s10  }
0x15: {  	s14 =	sadd.s32 $0x8, s11;
	s18 =	smov.u32 s11;
	p2 =	sgt.s32 s17, $0x1F  }
0x16: {  	s18 =	smov.u32 @p2 s14  }
0x17: {  	s20 =	smov.u32 s12;
	s14 =	sadd.s32 $0x200, s12;
	p3 =	sgt.s32 s18, $0x1F  }
0x18: {  	s20 =	smov.u32 @p3 s14  }
0x19: {  	s17 =	simm.s32 @p2 $0x0;
	p2 =	sgt.s32 s20, $0x1FF  }
0x1a: {  	p1 =	slt.u32 s13, $0x2;
	s20 =	smov.u32 @p2 s2;
	p2 =	sne.s32 s13, s8  }
.Ltmp1:
0x1b: {  	s19 =	simm.s32 @!p1 $0x2;
	(pc) =	sbr.rel @!p2 .LBB1_6-.Ltmp1, $4  }
0x1c: {  	s16 =	smov.u32 s11;
	s15 =	smov.u32 s12;
	_ =	swait.ge @!p1 [sflag:s19], $0x1000  }
0x1d: {  	p0 =	por !p0, !p0;
	[sflag:s19] =	ssyncset.done @!p1 $0x0;
	s18 =	smov.u32 @p3 s5  }
0x1e: {  	s14 =	smov.u32 s10;
	[sflag:s19] =	ssyncadd.s32 @!p1 $0xFFFFF000;
	s10 =	smov.u32 s17  }
0x1f: {  	s11 =	smov.u32 s18;
	s13 =	sadd.s32 $0x1, s13;
	s12 =	smov.u32 s20  }
.LBB1_1:
0x20: {  	p1 =	sge.u32 s13, s7;
	s31 =	sadd.s32 $0xFFFFFFFF, s13  }
0x21: {  	s17 =	sxor.u32 @!p1 $0xFFFFFFFF, s13;
	s18 =	sshll.u32 @!p1 s12, $0xE;
	s19 =	sshll.u32 @!p1 s11, $0x9  }
0x22: {  	s20 =	sshll.u32 @!p1 s10, $0x4;
	s17 =	sshll.u32 @!p1 s17, $0xC;
	s18 =	sadd.s32 @!p1 s3, s18  }
0x23: {  	s20 =	sand.u32 @!p1 $0x1F0, s20;
	s17 =	sand.u32 @!p1 $0x1000, s17;
	s18 =	sadd.s32 @!p1 s19, s18  }
0x24: {  	s19 =	simm.s32 @!p1 $0x20;
	s18 =	sadd.s32 @!p1 s20, s18;
	s20 =	simm.s32 @!p1 $0x20000  }
0x25: {  	[tilespmem:s17], [sflag:$0x1] =	stream.strided.gather @!p1 [hbm4b:s18+s19], $0x1000, s20, s19, $0x38;
	[tilespmem:$0x4040] =	vst v63  }
0x26: {  	p1 =	sge.u32 s31, s7  }
.Ltmp2:
0x27: {  	_ = 	snop;
	(pc) =	sbr.rel @p1 .LBB1_5-.Ltmp2, $1  }
0x28: {  	_ =	sdelay $0x3  }
0x29: {  	s17 =	simm.s32 $0x1  }
0x2a: {  	_ =	swait.ge [sflag:s6], $0x1000;
	s17 =	simm.s32 @!p0 $0x0  }
0x2b: {  	[sflag:s6] =	ssyncset.done $0x0;
	s18 =	sshll.u32 s17, $0xC  }
0x2c: {  	[sflag:s6] =	ssyncadd.s32 $0xFFFFF000;
	s21 =	sor.u32 $0x10, s18  }
0x2d: {  	s17 =	smul.u32 $0x4080, s17;
	v1 =	vld [tilespmem:s21+$0x0]  }
0x2e: {  	s30 =	sand.u32 $0x1, s13;
	v0 =	vld [tilespmem:s21+$0xFFFFFFF0]  }
0x2f: {  	s18 =	smul.u32 $0x4080, s30;
	s17 =	sshrl.u32 s17, $0x2  }
0x30: {  	s19 =	sor.u32 $0x2000, s17  }
0x31: {  	s31 =	sshrl.u32 s18, $0x2;
	s18 =	sadd.s32 $0x0, s19  }
0x32: {  	s20 =	simm.s32 $0x4;
	s21 =	sadd.s32 $0x20, s21;
	s17 =	sor.u32 $0x2000, s31;
	[tilespmem:s18+$0x810 ss:$0x81] =	vst.msk $0xffff, v1  }
.LBB1_3:
0x33: {  	v1 =	vld [tilespmem:s21+$0x0];
	p1 =	sne.s32 s20, $0x1FC;
	[tilespmem:s18+$0x0 ss:$0x81] =	vst.msk $0xffff, v0;
	s18 =	smov.u32 s20;
	s20 =	sadd.s32 $0x4, s20  }
.Ltmp3:
0x34: {  	v0 =	vld [tilespmem:s21+$0xFFFFFFF0];
	(pc) =	sbr.rel @p1 .LBB1_3-.Ltmp3, $4  }
0x35: {  	_ = 	snop  }
0x36: {  	s18 =	sshra.s32 s18, $0x2  }
0x37: {  	s18 =	sadd.s32 s18, s19  }
0x38: {  	s21 =	sadd.s32 $0x20, s21;
	[tilespmem:s18+$0x810 ss:$0x81] =	vst.msk $0xffff, v1  }
.Ltmp4:
0x39: {  	_ = 	snop;
	(pc) =	sbr.rel .LBB1_4-.Ltmp4, $1  }
0x3a: {  	_ =	sdelay $0x3  }
.LBB1_6:
0x3b: {  	_ =	sfence.sel $0x180000  }
0x3c: {  	s2 =	simm.s32 $0x1;
	[bflag:$0x0] =	sbarrier.arrive $0xFFFF  }
0x3d: {  	s31 =	simm.s32 $0x2;
	[sflag:s2] =	ssyncpa.u1 $0x1  }
0x3e: {  	[sflag:s31] =	ssyncpa.u1 $0x1  }
0x3f: {  	p0 =	sne.s32 s1, $0x0;
	_ =	strace $0x90000047  }
0x40: {  	s0 =	sadd.s32 @!p0 $0x100000, s0;
	[bflag:$0x2] =	sbarrier.arrive $0xFFFF  }
0x41: {  	[sflag:s0] =	ssyncadd.tile.s32 @!p0 $0x1;
	_ =	shalt  }
.Lfunc_end1:
_tile_overlayer_lowered:
.L_overlay_start_2:
0x42: {  	(tag) =	ssettag $0x2  }
0x43: {  	s0 =	rddreg [dreg:$0x0];
	s2 =	stileid.u32  }
0x44: {  	s1 =	rddreg [dreg:$0x1];
	p0 =	sne.s32 s2, $0x0  }
0x45: {  	s3 =	rddreg [dreg:$0x2];
	[bflag:$0x3] =	sbarrier.arrive $0xFFFF;
	s2 =	simm.s32 @!p0 $0x1C01  }
0x46: {  	[timem:s3], [sflag:s2] =	dma.local @!p0 [hbm:s0], s1  }
0x47: {  	s0 =	simm.s32 @!p0 $0x1  }
0x48: {  	_ =	swait.ge @!p0 [sflag:s0], s1  }
0x49: {  	s1 =	ssub.s32 @!p0 $0x0, s1;
	[sflag:s0] =	ssyncset.done @!p0 $0x0  }
0x4a: {  	[sflag:s0] =	ssyncadd.s32 @!p0 s1  }
0x4b: {  	[bflag:$0x3] =	sbarrier.arrive $0xFFFF  }
0x4c: {  	_ =	shalt  }

// kernel: sparse-core-data-format-call.cloned.1.call-start
scs
called_computation_lowered:
.L_overlay_start_0:
0x0: {  	s1 =	sld [smem:$0x3FD9]  }
0x1: {  	s2 =	sld [smem:$0x3FFE];
	_ =	sdelay $0x1  }
0x2: {  	s3 =	srdreg.scid  }
0x3: {  	s0 =	sand.u32 $0x1, s3  }
0x4: {  	s17 =	sshll.u32 s0, $0xA;
	s1 =	sadd.s32 s2, s1  }
0x5: {  	s1 =	sadd.s32 s1, s17  }
0x6: {  	[smem:$0x3FBA] =	sst s1  }
0x7: {  	_ = 	snop  }
0x8: {  	(tm) =	ssettm $0x1  }
0x9: {  	s18 =	sld [smem:$0x3FFB];
	_ =	sdelay $0x3  }
0xa: {  	_ =	strace s18  }
0xb: {  	s1 =	sld [smem:$0x3FFC];
	_ =	sdelay $0x3  }
0xc: {  	_ =	strace s1  }
0xd: {  	s1 =	sld [smem:$0x3FFD];
	_ =	sdelay $0x3  }
0xe: {  	_ =	strace s1  }
0xf: {  	_ =	strace $0x8FFFFFFF  }
0x10: {  	s19 =	sld [smem:$0x3FDB];
	_ =	sdelay $0x1  }
0x11: {  	s20 =	simm.s32 $_scs_section_size  }
0x12: {  	s4 =	simm.s32 $_size__tile_overlayer_lowered;
	s5 =	simm.s32 $_tile_overlayer_lowered  }
0x13: {  	s23 =	simm.s32 $0x1BFF;
	s22 =	sshll.u32 s5, $0x1;
	s1 =	sadd.s32 s20, s19  }
0x14: {  	s6 =	simm.s32 $0x0;
	s21 =	sshll.u32 s4, $0x1;
	s4 =	sadd.s32 s22, s1  }
0x15: {  	[timem:s6], [sflag:s23] =	dma.local [hbm:s4], s21  }
0x16: {  	_ =	swait.ge [sflag:s23], s21  }
0x17: {  	s2 =	ssub.s32 $0x0, s21;
	[sflag:s23] =	ssyncset.done $0x0  }
0x18: {  	[sflag:s23] =	ssyncadd.s32 s2;
	_ =	sdelay $0x1  }
0x19: {  	s24 =	simm.s32 $0x1B8B  }
0x1a: {  	_ =	swait.ge [sflag:s24], $0x1  }
0x1b: {  	[sflag:s24] =	ssyncset.done $0x0  }
0x1c: {  	s26 =	simm.s32 $0x1B8E;
	s25 =	sld [smem:$0x3FFE];
	[sflag:s24] =	ssyncadd.s32 $0xFFFFFFFF  }
0x1d: {  	s27 =	simm.s32 $execute0_lowered;
	[smem:$0x3FD2] =	sst s26  }
0x1e: {  	s4 =	sshll.u32 s27, $0x1;
	_ =	strace $0x8000004F;
	[dreg:$0x1] =	wrdreg $0xFFFFFFFF  }
0x1f: {  	s28 =	simm.s32 $_size_execute0_lowered;
	s1 =	sadd.s32 s1, s4;
	[dreg:$0x0] =	wrdreg $0x0  }
0x20: {  	s4 =	sshll.u32 s28, $0x1;
	[dreg:$0x2] =	wrdreg s1  }
0x21: {  	[dreg:$0x3] =	wrdreg s4  }
0x22: {  	[dreg:$0x4] =	wrdreg $0xC0  }
0x23: {  	_ =	task [dreg:s6], $0x5FFFF  }
0x24: {  	[dreg:$0x1] =	wrdreg $0xFFFFFFFF  }
0x25: {  	[dreg:$0x0] =	wrdreg $0x60  }
0x26: {  	[dreg:$0x2] =	wrdreg s25  }
0x27: {  	[dreg:$0x3] =	wrdreg $0x9  }
0x28: {  	_ =	task.clear_ibuf [dreg:s6], $0x4FFFF;
	_ =	strace $0x9000004F  }
0x29: {  	s29 =	simm.s32 $0x9;
	_ =	strace $0x80000051  }
0x2a: {  	_ =	swait.ge [sflag:s29], $0x1  }
0x2b: {  	[sflag:s29] =	ssyncadd.s32 $0xFFFFFFFF  }
0x2c: {  	_ =	strace $0x90000051  }
0x2d: {  	_ =	sfence  }
0x2e: {  	s30 =	sld [smem:$0x0];
	_ =	sdelay $0x2  }
0x2f: {  	s31 =	sshll.u32 s3, $0xD;
	s3 =	sshrl.u32 s3, $0x2  }
0x30: {  	s2 =	sand.u32 $0x4000, s31;
	s1 =	sadd.s32 s3, s30  }
0x31: {  	s0 =	sor.u32 s2, s0;
	s1 =	sshll.u32 s1, $0x11  }
0x32: {  	s0 =	sor.u32 s1, s0  }
0x33: {  	s0 =	sadd.s32 $0x8F2B, s0  }
0x34: {  	[sflag:s0] =	ssyncadd.remote.s32 $0x1  }
0x35: {  	_ =	sfence.sel $0xFFFF  }
0x36: {  	[dreg:$0x0] =	wrdreg $0xFFFFFFFF;
	(pc) =	sbr.abs _section_cstart, $3  }
0x37: {  	[dreg:$0x1] =	wrdreg $0xFFFFFFFF  }
0x38: {  	_ =	task.clear_ibuf [dreg:s6], $0x2FFFF;
	_ =	strace $0x9FFFFFFF  }
0x39: {  	(tm) =	ssettm $0x7FFFFFFF  }
tec
execute0_lowered:
.L_overlay_start_1:
0x0: {  	(tag) =	ssettag $0x1  }
0x1: {  	s1 =	srdreg.scid;
	s8 =	rddreg [dreg:$0x0]  }
0x2: {  	s0 =	stileid.u32;
	s31 =	simm.s32 $0x2;
	s22 =	simm.s32 $0x0  }
0x3: {  	s19 =	simm.s32 $0x0;
	s21 =	simm.s32 $0x0;
	s20 =	simm.s32 $0x0  }
0x4: {  	s23 =	simm.s32 $0x0;
	s24 =	simm.s32 $0x0;
	s12 =	simm.s32 $0x0  }
0x5: {  	s14 =	simm.s32 $0x0;
	s18 =	simm.s32 $0x0;
	s1 =	sand.u32 $0x1, s1  }
0x6: {  	s2 =	sand.u32 $0x1, s0;
	s3 =	sshrl.u32 s0, $0x1;
	s4 =	sshll.u32 s0, $0x5  }
0x7: {  	s3 =	sand.u32 $0x1, s3;
	s4 =	sand.u32 $0x180, s4;
	s5 =	ssub.s32 $0x2, s2  }
0x8: {  	s9 =	ssub.s32 $0x10, s1;
	s13 =	smov.u32 s1;
	s17 =	smov.u32 s2  }
0x9: {  	s6 =	sshrl.u32 s5, $0x1;
	s5 =	sand.u32 $0x1, s5;
	s7 =	ssub.s32 $0x2, s3  }
0xa: {  	s30 =	ssub.s32 $0x200, s4;
	s29 =	sshrl.u32 s7, $0x1;
	s7 =	sand.u32 $0x1, s7  }
0xb: {  	s11 =	sshrl.u32 s9, $0x1;
	s5 =	sadd.s32 s5, s6;
	s6 =	sadd.s32 s7, s29  }
0xc: {  	s15 =	smov.u32 s4;
	s10 =	sand.u32 $0x180, s30;
	s5 =	smul.u32 s6, s5  }
0xd: {  	s9 =	ssub.s32 s9, s11;
	p0 =	sne.s32 s10, $0x0;
	s6 =	simm.s32 $0x1  }
0xe: {  	s7 =	sshrl.u32 s30, $0x9;
	s6 =	simm.s32 @!p0 $0x0;
	s9 =	smul.u32 s9, s5  }
.Ltmp0:
0xf: {  	s16 =	smov.u32 s3;
	s7 =	sadd.s32 s6, s7;
	(pc) =	sbr.rel .LBB1_1-.Ltmp0, $4  }
0x10: {  	s11 =	simm.s32 $0x100000;
	p0 =	por $0x0, $0x0;
	s9 =	smul.u32 s7, s9  }
0x11: {  	s5 =	rddreg [dreg:$0x1];
	_ =	strace $0x80000050;
	s6 =	simm.s32 $0x1  }
0x12: {  	[sflag:s6] =	ssyncpa.u1 $0x0;
	s7 =	sadd.s32 $0xAC00, s8;
	s9 =	sshll.u32 s9, $0x2  }
0x13: {  	s8 =	sadd.s32 $0x80AC00, s8;
	[sflag:s31] =	ssyncpa.u1 $0x0;
	s10 =	sor.u32 $0x1, s9  }
.LBB1_7:
0x14: {  	s25 =	sadd.s32 $0x8, s12  }
0x15: {  	s19 =	sadd.s32 $0x2, s13;
	s26 =	smov.u32 s13;
	p2 =	sgt.s32 s25, $0x1F  }
0x16: {  	s26 =	smov.u32 @p2 s19  }
0x17: {  	s27 =	smov.u32 s14;
	s19 =	sadd.s32 $0x10, s14;
	p3 =	sgt.s32 s26, $0xF  }
0x18: {  	s28 =	smov.u32 s15;
	s27 =	smov.u32 @p3 s19  }
0x19: {  	s29 =	smov.u32 s16;
	s19 =	sadd.s32 $0x200, s15;
	p4 =	sgt.s32 s27, $0xF  }
0x1a: {  	p1 =	slt.u32 s18, $0x2;
	s30 =	smov.u32 s17;
	s28 =	smov.u32 @p4 s19  }
0x1b: {  	s22 =	smov.u32 s12;
	s19 =	sadd.s32 $0x2, s16;
	p5 =	sgt.s32 s28, $0x1FF  }
0x1c: {  	s21 =	smov.u32 s14;
	s20 =	smov.u32 s15;
	s29 =	smov.u32 @p5 s19  }
0x1d: {  	s25 =	simm.s32 @p2 $0x0;
	s19 =	sadd.s32 $0x2, s17;
	p2 =	sgt.s32 s29, $0x1  }
0x1e: {  	s23 =	smov.u32 s16;
	s24 =	smov.u32 s17;
	s30 =	smov.u32 @p2 s19  }
0x1f: {  	s31 =	simm.s32 @!p1 $0x2;
	s29 =	smov.u32 @p2 s3;
	p2 =	sgt.s32 s30, $0x1  }
0x20: {  	_ =	swait.ge @!p1 [sflag:s31], $0x4000;
	s30 =	smov.u32 @p2 s2;
	p2 =	sne.s32 s18, s10  }
.Ltmp1:
0x21: {  	p0 =	por !p0, !p0;
	[sflag:s31] =	ssyncset.done @!p1 $0x0;
	(pc) =	sbr.rel @!p2 .LBB1_8-.Ltmp1, $4  }
0x22: {  	s12 =	smov.u32 s25;
	s26 =	smov.u32 @p3 s1;
	s27 =	simm.s32 @p4 $0x0  }
0x23: {  	[sflag:s31] =	ssyncadd.s32 @!p1 $0xFFFFC000;
	s14 =	smov.u32 s27;
	s28 =	smov.u32 @p5 s4  }
0x24: {  	s15 =	smov.u32 s28;
	s19 =	smov.u32 s13;
	s13 =	smov.u32 s26  }
0x25: {  	s16 =	smov.u32 s29;
	s18 =	sadd.s32 $0x1, s18;
	s17 =	smov.u32 s30  }
.LBB1_1:
0x26: {  	p1 =	sge.u32 s18, s9  }
0x27: {  	s31 =	sadd.s32 $0xFFFFFFFF, s18;
	s25 =	sxor.u32 @!p1 $0xFFFFFFFF, s18  }
0x28: {  	s26 =	sshll.u32 @!p1 s13, $0x7;
	s27 =	sshll.u32 @!p1 s12, $0x3;
	s29 =	sshll.u32 @!p1 s15, $0xC  }
0x29: {  	s25 =	sshll.u32 @!p1 s25, $0xE;
	s28 =	sand.u32 @!p1 $0x400, s26;
	s27 =	sand.u32 @!p1 $0x400, s27  }
0x2a: {  	s26 =	sand.u32 @!p1 $0x380, s26;
	s27 =	sadd.s32 @!p1 s28, s27;
	s28 =	sshll.u32 @!p1 s17, $0x16  }
0x2b: {  	s26 =	sor.u32 @!p1 s26, s27;
	s27 =	sshll.u32 @!p1 s16, $0x15;
	s28 =	sadd.s32 @!p1 s7, s28  }
0x2c: {  	s30 =	sshrl.u32 @!p1 s12, $0x3;
	s25 =	sand.u32 @!p1 $0x4000, s25;
	s27 =	sadd.s32 @!p1 s27, s28  }
0x2d: {  	s26 =	sshrl.u32 @!p1 s26, $0x3;
	s28 =	sshll.u32 @!p1 s14, $0x8;
	s27 =	sadd.s32 @!p1 s29, s27  }
0x2e: {  	s29 =	sand.u32 @!p1 $0xF, s30;
	s27 =	sadd.s32 @!p1 s28, s27;
	s28 =	sand.u32 @!p1 $0x7, s12  }
0x2f: {  	s26 =	sand.u32 @!p1 $0xF0, s26;
	s27 =	sadd.s32 @!p1 s29, s27;
	s28 =	sshll.u32 @!p1 s28, $0x12  }
0x30: {  	s26 =	sadd.s32 @!p1 s26, s27;
	s27 =	sor.u32 @!p1 $0x8, s28;
	s28 =	simm.s32 @!p1 $0x800  }
0x31: {  	[tilespmem:s25], [sflag:$0x1] =	stream.strided.gather @!p1 [hbm4b:s26+s27], $0x4000, s28, s27, $0x38;
	[tilespmem:$0x10100] =	vst v63  }
0x32: {  	p1 =	sge.u32 s31, s9  }
.Ltmp2:
0x33: {  	_ = 	snop;
	(pc) =	sbr.rel @p1 .LBB1_7-.Ltmp2, $1  }
0x34: {  	_ =	sdelay $0x3  }
0x35: {  	s25 =	simm.s32 $0x1;
	s27 =	sand.u32 $0x1, s18  }
0x36: {  	s25 =	simm.s32 @!p0 $0x0;
	s28 =	smul.u32 $0x10200, s27  }
0x37: {  	_ =	swait.ge [sflag:s6], $0x4000;
	s26 =	smul.u32 $0x10200, s25  }
0x38: {  	[sflag:s6] =	ssyncset.done $0x0;
	s27 =	sshll.u32 s25, $0xE  }
0x39: {  	[sflag:s6] =	ssyncadd.s32 $0xFFFFC000;
	s31 =	sshrl.u32 s28, $0x2;
	s26 =	sshrl.u32 s26, $0x2  }
0x3a: {  	s28 =	simm.s32 $0x0;
	s25 =	sor.u32 $0x8000, s31;
	s26 =	sor.u32 $0x8000, s26  }
.LBB1_3:
0x3b: {  	v0 =	vmov s27;
	_ =	sdelay $0x3  }
0x3c: {  	s29 =	simm.s32 $0x0  }
0x3d: {  	v1 =	vld.idx.msk [tilespmem:v0+s29+$0x0 ss:$0x1], $0xff;
	_ =	sdelay $0x2  }
0x3e: {  	s30 =	simm.s32 $0x20;
	s29 =	smov.u32 s26  }
.LBB1_4:
0x3f: {  	s31 =	sshra.s32 s30, $0x2;
	p1 =	sne.s32 s30, $0x1E0;
	s30 =	sadd.s32 $0x20, s30  }
.Ltmp3:
0x40: {  	[tilespmem:s29+$0x0 ss:$0x81] =	vst.msk $0xff, v1;
	v1 =	vld.idx.msk [tilespmem:v0+s31+$0x0 ss:$0x1], $0xff;
	(pc) =	sbr.rel @p1 .LBB1_4-.Ltmp3, $2  }
0x41: {  	_ =	sdelay $0x2  }
0x42: {  	s29 =	sadd.s32 $0x408, s29  }
0x43: {  	s28 =	sadd.s32 $0x1, s28  }
0x44: {  	p1 =	sne.s32 s28, $0x80  }
.Ltmp4:
0x45: {  	_ = 	snop;
	(pc) =	sbr.rel @p1 .LBB1_3-.Ltmp4, $2  }
0x46: {  	_ =	sdelay $0x2  }
0x47: {  	[tilespmem:s29+$0x0 ss:$0x81] =	vst.msk $0xff, v1;
	s26 =	sadd.s32 $0x1, s26;
	s27 =	sadd.s32 $0x80, s27  }
0x48: {  	s26 =	sshll.u32 s22, $0x9;
	s27 =	sshll.u32 s20, $0x3  }
0x49: {  	s30 =	sshll.u32 s22, $0x7;
	s28 =	sand.u32 $0x78, s20;
	s24 =	sshll.u32 s24, $0x10  }
0x4a: {  	s23 =	sshll.u32 s23, $0xB;
	s21 =	sshll.u32 s21, $0x11;
	s19 =	sshll.u32 s19, $0xC  }
0x4b: {  	s26 =	sand.u32 $0x3000, s26;
	s27 =	sand.u32 $0x3C00, s27;
	s31 =	sand.u32 $0x200, s30  }
0x4c: {  	s22 =	sand.u32 $0x180, s30;
	s24 =	sadd.s32 s8, s24;
	s30 =	sand.u32 $0x7, s20  }
0x4d: {  	s26 =	sadd.s32 s27, s26;
	s22 =	sor.u32 s28, s22;
	s23 =	sadd.s32 s23, s24  }
.Ltmp5:
0x4e: {  	s26 =	sor.u32 s31, s26;
	s21 =	sadd.s32 s21, s23;
	(pc) =	sbr.rel .LBB1_7-.Ltmp5, $4  }
0x4f: {  	s22 =	sshrl.u32 s22, $0x3;
	s29 =	sshrl.u32 s26, $0x3;
	s19 =	sadd.s32 s19, s21  }
0x50: {  	s20 =	sshll.u32 s30, $0x12;
	s31 =	sand.u32 $0x7C0, s29;
	s19 =	sadd.s32 s22, s19  }
0x51: {  	s20 =	sor.u32 $0x400, s20;
	s19 =	sadd.s32 s31, s19  }
0x52: {  	[hbm4b:s19+s20] =	stream.strided.scatter [tilespmem:s25], [sflag:$0x2], $0x4000, s11, s20, $0x20;
	[tilespmem:$0x10100] =	vst v63  }
.LBB1_8:
0x53: {  	_ =	sfence.sel $0x180000  }
0x54: {  	s1 =	simm.s32 $0x1;
	[bflag:$0x0] =	sbarrier.arrive $0xFFFF  }
0x55: {  	s31 =	simm.s32 $0x2;
	[sflag:s1] =	ssyncpa.u1 $0x1  }
0x56: {  	[sflag:s31] =	ssyncpa.u1 $0x1  }
0x57: {  	p0 =	sne.s32 s0, $0x0;
	_ =	strace $0x90000050  }
0x58: {  	s0 =	sadd.s32 @!p0 $0x100000, s5;
	[bflag:$0x2] =	sbarrier.arrive $0xFFFF  }
0x59: {  	[sflag:s0] =	ssyncadd.tile.s32 @!p0 $0x1;
	_ =	shalt  }
.Lfunc_end1:
_tile_overlayer_lowered:
.L_overlay_start_2:
0x5a: {  	(tag) =	ssettag $0x2  }
0x5b: {  	s0 =	rddreg [dreg:$0x0];
	s2 =	stileid.u32  }
0x5c: {  	s1 =	rddreg [dreg:$0x1];
	p0 =	sne.s32 s2, $0x0  }
0x5d: {  	s3 =	rddreg [dreg:$0x2];
	[bflag:$0x3] =	sbarrier.arrive $0xFFFF;
	s2 =	simm.s32 @!p0 $0x1C01  }
0x5e: {  	[timem:s3], [sflag:s2] =	dma.local @!p0 [hbm:s0], s1  }
0x5f: {  	s0 =	simm.s32 @!p0 $0x1  }
0x60: {  	_ =	swait.ge @!p0 [sflag:s0], s1  }
0x61: {  	s1 =	ssub.s32 @!p0 $0x0, s1;
	[sflag:s0] =	ssyncset.done @!p0 $0x0  }
0x62: {  	[sflag:s0] =	ssyncadd.s32 @!p0 s1  }
0x63: {  	[bflag:$0x3] =	sbarrier.arrive $0xFFFF  }
0x64: {  	_ =	shalt  }

</sc_bundles>
